<compile_context>
chip_gen: v7x
topology: tpu7x:2x2x1
jax: 0.10.2.dev20260603
libtpu: 0.0.44.dev20260713+nightly
codegen_flags: <defaults>
</compile_context>

<pallas_src>
import functools

import numpy as np
import jax
import jax.numpy as jnp
from jax import lax
from jax.experimental import pallas as pl
from jax.experimental.pallas import tpu as pltpu
from jax.experimental.pallas import tpu_sc as plsc

_NUM_SPH = 7
_NUM_RAD = 6
_NSR = _NUM_SPH * _NUM_RAD
_NPAD = 48
_WROW = 64
_CUTOFF = 5.0
_ENV_EXP = 5
_N_EDGES = 640000
_N_TRIP = 1280000

_SC_NC = 2
_SC_NS = 16
_SC_NW = _SC_NC * _SC_NS
_B_PER_W = _N_TRIP // _SC_NW
_CHUNK = 80
_NCHUNK = _B_PER_W // _CHUNK
_KFLY = 10
_BT = 10240



def _sjn(x, n):
    x = np.asarray(x, dtype=np.float64)
    j0 = np.sin(x) / x
    if n == 0:
        return j0
    j1 = np.sin(x) / x ** 2 - np.cos(x) / x
    jm1, jc = j0, j1
    for l in range(1, n):
        jm1, jc = jc, (2 * l + 1) / x * jc - jm1
    return jc


def _sjn_zeros(n, k):
    zeros = np.zeros((n, k), dtype=np.float64)
    zeros[0] = np.arange(1, k + 1) * np.pi
    points = np.arange(1, k + n) * np.pi
    for i in range(1, n):
        m = k + n - 1 - i
        racines = np.zeros(m, dtype=np.float64)
        for j in range(m):
            a, b = points[j], points[j + 1]
            fa = _sjn(a, i)
            for _ in range(100):
                mid = 0.5 * (a + b)
                fm = _sjn(mid, i)
                if fa * fm <= 0.0:
                    b = mid
                else:
                    a, fa = mid, fm
            racines[j] = 0.5 * (a + b)
        points = racines
        zeros[i, :k] = racines[:k]
    return zeros


_ZQ = _sjn_zeros(_NUM_SPH, _NUM_RAD)
_NRM = np.zeros((_NUM_SPH, _NUM_RAD), dtype=np.float64)
for _l in range(_NUM_SPH):
    for _n in range(_NUM_RAD):
        _NRM[_l, _n] = 1.0 / np.sqrt(0.5 * _sjn(_ZQ[_l, _n], _l + 1) ** 2)

_ZCOL = np.ones((_NPAD, 1), dtype=np.float32)
_ZCOL[:_NSR, 0] = _ZQ.reshape(-1).astype(np.float32)
_NRMCOL = np.zeros((_NPAD, 1), dtype=np.float32)
_NRMCOL[:_NSR, 0] = _NRM.reshape(-1).astype(np.float32)
_SPHC = [np.sqrt((2 * l + 1) / (4.0 * np.pi)).astype(np.float32)
         for l in range(_NUM_SPH)]



def _rbf_body(d_ref, z_ref, nrm_ref, o_ref):
    dsr = d_ref[...]
    zcol = z_ref[...]
    nrmcol = nrm_ref[...]
    lrow = lax.broadcasted_iota(jnp.int32, (_NPAD, 1), 0) // _NUM_RAD
    leq = [lrow == l for l in range(_NUM_SPH)]

    inv_cutoff = 1.0 / _CUTOFF
    ds = dsr * inv_cutoff

    p = _ENV_EXP + 1
    a = -(p + 1) * (p + 2) / 2.0
    b = p * (p + 2) * 1.0
    c = -p * (p + 1) / 2.0
    env = 1.0 / ds + a * ds ** (p - 1) + b * ds ** p + c * ds ** (p + 1)
    u = jnp.where(ds < 1.0, env, jnp.zeros_like(env))

    x = zcol * ds
    s = jnp.sin(x)
    cx = jnp.cos(x)
    rx = 1.0 / x
    rx2 = 1.0 / x ** 2
    j0 = s * rx
    j1 = s * rx2 - cx * rx
    res = jnp.where(leq[0], j0, j1)
    jm1, jc = j0, j1
    for ll in range(1, _NUM_SPH - 1):
        jm1, jc = jc, (2 * ll + 1) * rx * jc - jm1
        res = jnp.where(leq[ll + 1], jc, res)

    norm_const = inv_cutoff ** 1.5
    rbf_t = u * (res * nrmcol * norm_const)
    half = _BE // 2
    a_h = rbf_t[:, :half].T
    b_h = rbf_t[:, half:].T
    z16 = jnp.zeros((half, _WROW - _NPAD), jnp.float32)
    o_ref[...] = jnp.concatenate([a_h, z16, b_h, z16], axis=1)


_BE = 5120


def _rbf_table(d_row):
    return pl.pallas_call(
        _rbf_body,
        grid=(_N_EDGES // _BE,),
        in_specs=[
            pl.BlockSpec((1, _BE), lambda i: (0, i)),
            pl.BlockSpec((_NPAD, 1), lambda i: (0, 0)),
            pl.BlockSpec((_NPAD, 1), lambda i: (0, 0)),
        ],
        out_specs=pl.BlockSpec((_BE * _WROW // 128, 128), lambda i: (i, 0)),
        out_shape=jax.ShapeDtypeStruct((_N_EDGES * _WROW // 128, 128),
                                       jnp.float32),
    )(d_row, jnp.asarray(_ZCOL), jnp.asarray(_NRMCOL))



_STAGE_LEN = 5 * _BT


@functools.cache
def _make_sc_perm():
    @functools.partial(
        pl.kernel,
        mesh=plsc.VectorSubcoreMesh(core_axis_name="c", subcore_axis_name="s"),
        compiler_params=pltpu.CompilerParams(use_tc_tiling_on_sc=False,
                                             needs_layout_passes=False),
        out_type=jax.ShapeDtypeStruct((_SC_NW, _B_PER_W), jnp.int32),
        scratch_types=[
            pltpu.VMEM((_STAGE_LEN,), jnp.int32),
            pltpu.VMEM((_B_PER_W,), jnp.int32),
        ],
    )
    def _sc_perm(row_hbm, out_hbm, stage_v, big_v):
        wid = lax.axis_index("s") * _SC_NC + lax.axis_index("c")
        base = wid * _B_PER_W
        bmin = ((base >> 11) * 13108) >> 16
        start = jnp.minimum(bmin * _BT, _N_TRIP - _STAGE_LEN)
        pltpu.sync_copy(row_hbm.at[pl.ds(start, _STAGE_LEN)], stage_v)
        half = _BT // 2
        ii = lax.broadcasted_iota(jnp.int32, (16,), 0)

        def chunk(c, carry):
            p0 = base + 64 * c
            blk = ((p0 >> 11) * 13108) >> 16
            u0 = (p0 - blk * _BT) >> 1
            ta = blk * _BT + u0 - start
            for s in range(2):
                av = plsc.load_gather(stage_v, [ta + 16 * s + ii])
                bv = plsc.load_gather(stage_v, [ta + half + 16 * s + ii])
                off = 64 * c + 32 * s + ii * 2
                plsc.store_scatter(big_v, [off], av)
                plsc.store_scatter(big_v, [off + 1], bv)
            return carry

        lax.fori_loop(0, _B_PER_W // 64, chunk, 0)
        pltpu.sync_copy(big_v, out_hbm.at[wid])

    return _sc_perm



@functools.cache
def _make_sc_gather():
    @functools.partial(
        pl.kernel,
        mesh=plsc.VectorSubcoreMesh(core_axis_name="c", subcore_axis_name="s"),
        compiler_params=pltpu.CompilerParams(use_tc_tiling_on_sc=False),
        out_type=jax.ShapeDtypeStruct((_N_TRIP, _WROW), jnp.float32),
        scratch_types=[
            pltpu.VMEM((_B_PER_W,), jnp.int32),
            pltpu.VMEM((_KFLY, _CHUNK, _WROW), jnp.float32),
            pltpu.SemaphoreType.DMA,
            pltpu.SemaphoreType.DMA,
        ],
    )
    def _sc_gather(table_hbm, idx_hbm, out_hbm, idx_v, rows_v, gsem, osem):
        wid = lax.axis_index("s") * _SC_NC + lax.axis_index("c")
        base = wid * _B_PER_W
        pltpu.sync_copy(idx_hbm.at[wid], idx_v)

        def body(g, carry):
            gathers = [
                pltpu.async_copy(
                    table_hbm.at[
                        idx_v.at[pl.ds((g * _KFLY + t) * _CHUNK, _CHUNK)]],
                    rows_v.at[t], gsem)
                for t in range(_KFLY)
            ]
            outs = []
            for t in range(_KFLY):
                gathers[t].wait()
                dst = out_hbm.at[pl.ds(base + (g * _KFLY + t) * _CHUNK, _CHUNK)]
                outs.append(pltpu.async_copy(rows_v.at[t], dst, osem))
            for cp in outs:
                cp.wait()
            return carry

        lax.fori_loop(0, _NCHUNK // _KFLY, body, 0)

    return _sc_gather



def _mul_body(g_ref, ang_ref, o_ref):
    g = g_ref[...]
    th = ang_ref[...]
    lrow = lax.broadcasted_iota(jnp.int32, (_WROW, 1), 0) // _NUM_RAD
    leq = [lrow == l for l in range(_NUM_SPH)]

    ct = jnp.cos(th)
    P = [jnp.ones_like(ct), ct]
    for l in range(1, _NUM_SPH - 1):
        P.append(((2 * l + 1) * ct * P[l] - l * P[l - 1]) / (l + 1))
    ys = [_SPHC[l] * P[l] for l in range(_NUM_SPH)]
    ysel = jnp.broadcast_to(ys[_NUM_SPH - 1], (_WROW, th.shape[1]))
    for l in range(_NUM_SPH - 2, -1, -1):
        ysel = jnp.where(leq[l], ys[l], ysel)

    g_a = g[:, :_WROW].T
    g_b = g[:, _WROW:].T
    gt = jnp.concatenate([g_a, g_b], axis=1)
    o_ref[...] = (gt * ysel)[:_NSR, :]


def _mul_out(gathered, ang_row):
    return pl.pallas_call(
        _mul_body,
        grid=(_N_TRIP // _BT,),
        in_specs=[
            pl.BlockSpec((_BT * _WROW // 128, 128), lambda i: (i, 0)),
            pl.BlockSpec((1, _BT), lambda i: (0, i)),
        ],
        out_specs=pl.BlockSpec((_NSR, _BT), lambda i: (0, i)),
        out_shape=jax.ShapeDtypeStruct((_NSR, _N_TRIP), jnp.float32),
    )(gathered, ang_row)


def kernel(D_ca, Angle_cab, id3_reduce_ca, Kidx):
    e = id3_reduce_ca.astype(jnp.int32)
    eb = e // _BE
    v = e - eb * _BE
    half_e = _BE // 2
    row = eb * _BE + (v % half_e) * 2 + v // half_e
    idx = _make_sc_perm()(row)
    table = _rbf_table(D_ca.reshape(1, _N_EDGES))
    gathered = _make_sc_gather()(table.reshape(_N_EDGES, _WROW), idx)
    out_t = _mul_out(gathered.reshape(_N_TRIP * _WROW // 128, 128),
                     Angle_cab.reshape(1, _N_TRIP))
    return out_t.T

# --- scband reference (transcript-rebuilt; emitter-appended) ---
"""Pipeline reference for scband-spherical-basis-layer-76639396430000 (READ-ONLY COPY).

The authoritative reference and input builder live on the scoring server;
editing this copy changes nothing except your own understanding.
"""

import jax, jax.numpy as jnp
import numpy as np

NUM_SPHERICAL = 7
NUM_RADIAL = 6
CUTOFF = 5.0
ENV_EXPONENT = 5
N_EDGES = 640000
N_TRIPLETS = 1280000


def _jn_np(x, n):
    x = np.asarray(x, dtype=np.float64)
    j0 = np.sin(x) / x
    if n == 0:
        return j0
    j1 = np.sin(x) / x ** 2 - np.cos(x) / x
    jm1, jc = j0, j1
    for l in range(1, n):
        jm1, jc = jc, (2 * l + 1) / x * jc - jm1
    return jc


def _jn_zeros(n, k):
    zeros = np.zeros((n, k), dtype=np.float64)
    zeros[0] = np.arange(1, k + 1) * np.pi
    points = np.arange(1, k + n) * np.pi
    for i in range(1, n):
        m = k + n - 1 - i
        racines = np.zeros(m, dtype=np.float64)
        for j in range(m):
            a, b = points[j], points[j + 1]
            fa = _jn_np(a, i)
            for _ in range(100):
                mid = 0.5 * (a + b)
                fm = _jn_np(mid, i)
                if fa * fm <= 0.0:
                    b = mid
                else:
                    a, fa = mid, fm
            racines[j] = 0.5 * (a + b)
        points = racines
        zeros[i, :k] = racines[:k]
    return zeros


_Z = _jn_zeros(NUM_SPHERICAL, NUM_RADIAL)
_NORM = np.zeros((NUM_SPHERICAL, NUM_RADIAL), dtype=np.float64)
for _l in range(NUM_SPHERICAL):
    for _n in range(NUM_RADIAL):
        _NORM[_l, _n] = 1.0 / np.sqrt(0.5 * _jn_np(_Z[_l, _n], _l + 1) ** 2)


def _jl(x, l):
    j0 = jnp.sin(x) / x
    if l == 0:
        return j0
    j1 = jnp.sin(x) / x ** 2 - jnp.cos(x) / x
    jm1, jc = j0, j1
    for ll in range(1, l):
        jm1, jc = jc, (2 * ll + 1) / x * jc - jm1
    return jc


def _rbf(d_scaled):
    parts = []
    for l in range(NUM_SPHERICAL):
        z = jnp.asarray(_Z[l], dtype=d_scaled.dtype)
        nrm = jnp.asarray(_NORM[l], dtype=d_scaled.dtype)
        arg = d_scaled[:, None] * z[None, :]
        parts.append(_jl(arg, l) * nrm[None, :])
    return jnp.concatenate(parts, axis=1)


def _sph(theta):
    ct = jnp.cos(theta)
    P = [jnp.ones_like(ct), ct]
    for l in range(1, NUM_SPHERICAL - 1):
        P.append(((2 * l + 1) * ct * P[l] - l * P[l - 1]) / (l + 1))
    ys = [np.sqrt((2 * l + 1) / (4.0 * np.pi)).astype(np.float32) * P[l] for l in range(NUM_SPHERICAL)]
    return jnp.stack(ys, axis=1)


def _envelope(x):
    p = ENV_EXPONENT + 1
    a = -(p + 1) * (p + 2) / 2.0
    b = p * (p + 2) * 1.0
    c = -p * (p + 1) / 2.0
    env = 1.0 / x + a * x ** (p - 1) + b * x ** p + c * x ** (p + 1)
    return jnp.where(x < 1.0, env, jnp.zeros_like(x))


def setup_inputs(seed: int = 0) -> dict:
    key = jax.random.key(seed)
    k1, k2, k3, k4 = jax.random.split(key, 4)
    D_ca = jax.random.uniform(k1, (N_EDGES,), jnp.float32, 0.05, 0.95) * CUTOFF
    Angle_cab = jax.random.uniform(k2, (N_TRIPLETS,), jnp.float32, 0.0, 1.0) * np.pi
    id3_reduce_ca = jax.random.randint(k3, (N_TRIPLETS,), 0, N_EDGES).astype(jnp.int64)
    Kidx = jax.random.randint(k4, (N_TRIPLETS,), 0, 64).astype(jnp.int64)
    return {"D_ca": D_ca, "Angle_cab": Angle_cab, "id3_reduce_ca": id3_reduce_ca, "Kidx": Kidx}


def reference(D_ca, Angle_cab, id3_reduce_ca, Kidx):
    inv_cutoff = 1.0 / CUTOFF
    norm_const = inv_cutoff ** 1.5
    d_scaled = D_ca * inv_cutoff
    u_d = _envelope(d_scaled)
    rbf = _rbf(d_scaled) * norm_const
    rbf_env = u_d[:, None] * rbf
    sph = _sph(Angle_cab)
    rbf_env = jnp.take(rbf_env, id3_reduce_ca, axis=0)
    sph = jnp.repeat(sph, NUM_RADIAL, axis=1)
    return rbf_env * sph

if __name__ == "__main__":
    import jax
    _d = setup_inputs()
    print(jax.jit(kernel)(*tuple(_d.values())))

</pallas_src>

<mosaic_0001>
#map = affine_map<(d0, d1) -> (0)>
#map1 = affine_map<(d0, d1) -> (0, 0)>
module attributes {stable_mosaic.version = 14 : i64} {
  func.func @_sc_perm(%arg0: i32, %arg1: i32, %arg2: memref<1280000xi32, #tpu.memory_space<hbm>>, %arg3: memref<32x40000xi32, #tpu.memory_space<hbm>>, %arg4: memref<51200xi32, #tpu.memory_space<vmem>>, %arg5: memref<40000xi32, #tpu.memory_space<vmem>>) attributes {dimension_semantics = [#tpu.dimension_semantics<core_parallel>, #tpu.dimension_semantics<subcore_parallel>], iteration_bounds = array<i64: 2, 16>, scalar_prefetch = 0 : i64, scratch_operands = 2 : i64, tpu.core_type = #tpu.core_type<sc_vector_subcore>, window_params = [{transform_indices = #map}, {transform_indices = #map1}]} {
    %mul3A = arith.constant 2 : i32
    %mul3A_0 = arith.muli %arg1, %mul3A : i32
    %add3A = arith.addi %mul3A_0, %arg0 : i32
    %mul3A_1 = arith.constant 40000 : i32
    %mul3A_2 = arith.muli %add3A, %mul3A_1 : i32
    %shift_right_arithmetic3A = arith.constant 11 : i32
    %shift_right_arithmetic3A_3 = arith.shrsi %mul3A_2, %shift_right_arithmetic3A : i32
    %mul3A_4 = arith.constant 13108 : i32
    %mul3A_5 = arith.muli %shift_right_arithmetic3A_3, %mul3A_4 : i32
    %shift_right_arithmetic3A_6 = arith.constant 16 : i32
    %shift_right_arithmetic3A_7 = arith.shrsi %mul3A_5, %shift_right_arithmetic3A_6 : i32
    %mul3A_8 = arith.constant 10240 : i32
    %mul3A_9 = arith.muli %shift_right_arithmetic3A_7, %mul3A_8 : i32
    %min3A = arith.constant 1228800 : i32
    %min3A_10 = arith.minsi %mul3A_9, %min3A : i32
    "tpu.region"() ({
      %run_scoped3A = tpu.sem_alloc : memref<!tpu.dma_semaphore, #tpu.memory_space<semaphore_mem>>
      %dma_start3A = tpu.memref_slice %arg2[%min3A_10] : memref<1280000xi32, #tpu.memory_space<hbm>> -> memref<51200xi32, #tpu.memory_space<hbm>>
      %dma_start3A_16 = tpu.memref_slice %arg2[%min3A_10] : memref<1280000xi32, #tpu.memory_space<hbm>> -> memref<51200xi32, #tpu.memory_space<hbm>>
      tpu.enqueue_dma source(%dma_start3A_16 : memref<51200xi32, #tpu.memory_space<hbm>>) target(%arg4 : memref<51200xi32, #tpu.memory_space<vmem>>) target_semaphore(%run_scoped3A : memref<!tpu.dma_semaphore, #tpu.memory_space<semaphore_mem>>)
      %dma_wait3A = tpu.memref_slice %arg2[%min3A_10] : memref<1280000xi32, #tpu.memory_space<hbm>> -> memref<51200xi32, #tpu.memory_space<hbm>>
      %dma_wait3A_17 = tpu.memref_slice %arg2[%min3A_10] : memref<1280000xi32, #tpu.memory_space<hbm>> -> memref<51200xi32, #tpu.memory_space<hbm>>
      tpu.wait_dma2 semaphore(%run_scoped3A : memref<!tpu.dma_semaphore, #tpu.memory_space<semaphore_mem>>) src(%dma_wait3A_17 : memref<51200xi32, #tpu.memory_space<hbm>>) dst(%arg4 : memref<51200xi32, #tpu.memory_space<vmem>>)
      tpu.yield
    }) : () -> ()
    %iota3A = tpu.iota {dimensions = array<i32: 0>} : vector<16xi32>
    %scan3A = arith.constant 0 : i32
    %scan3A_11 = arith.constant 0 : i32
    %scan3A_12 = arith.constant 625 : i32
    %scan3A_13 = arith.addi %scan3A_11, %scan3A_12 : i32
    %scan3A_14 = arith.constant 1 : i32
    scf.for %scan3A_16 = %scan3A_11 to %scan3A_13 step %scan3A_14  : i32 {
      %mul3A_17 = arith.constant 64 : i32
      %mul3A_18 = arith.muli %mul3A_17, %scan3A_16 : i32
      %add3A_19 = arith.addi %mul3A_2, %mul3A_18 : i32
      %shift_right_arithmetic3A_20 = arith.constant 11 : i32
      %shift_right_arithmetic3A_21 = arith.shrsi %add3A_19, %shift_right_arithmetic3A_20 : i32
      %mul3A_22 = arith.constant 13108 : i32
      %mul3A_23 = arith.muli %shift_right_arithmetic3A_21, %mul3A_22 : i32
      %shift_right_arithmetic3A_24 = arith.constant 16 : i32
      %shift_right_arithmetic3A_25 = arith.shrsi %mul3A_23, %shift_right_arithmetic3A_24 : i32
      %mul3A_26 = arith.constant 10240 : i32
      %mul3A_27 = arith.muli %shift_right_arithmetic3A_25, %mul3A_26 : i32
      %sub3A = arith.subi %add3A_19, %mul3A_27 : i32
      %shift_right_arithmetic3A_28 = arith.constant 1 : i32
      %shift_right_arithmetic3A_29 = arith.shrsi %sub3A, %shift_right_arithmetic3A_28 : i32
      %mul3A_30 = arith.constant 10240 : i32
      %mul3A_31 = arith.muli %shift_right_arithmetic3A_25, %mul3A_30 : i32
      %add3A_32 = arith.addi %mul3A_31, %shift_right_arithmetic3A_29 : i32
      %sub3A_33 = arith.subi %add3A_32, %min3A_10 : i32
      %add3A_34 = arith.constant 0 : i32
      %add3A_35 = arith.addi %sub3A_33, %add3A_34 : i32
      %add3A_36 = vector.broadcast %add3A_35 : i32 to vector<16xi32>
      %add3A_37 = arith.addi %add3A_36, %iota3A : vector<16xi32>
      %gather3A = tpu.vector_load_idx %arg4[%add3A_37] : memref<51200xi32, #tpu.memory_space<vmem>>[vector<16xi32>], vector<16xi32>,
      %add3A_38 = arith.constant 5120 : i32
      %add3A_39 = arith.addi %sub3A_33, %add3A_38 : i32
      %add3A_40 = arith.constant 0 : i32
      %add3A_41 = arith.addi %add3A_39, %add3A_40 : i32
      %add3A_42 = vector.broadcast %add3A_41 : i32 to vector<16xi32>
      %add3A_43 = arith.addi %add3A_42, %iota3A : vector<16xi32>
      %gather3A_44 = tpu.vector_load_idx %arg4[%add3A_43] : memref<51200xi32, #tpu.memory_space<vmem>>[vector<16xi32>], vector<16xi32>,
      %mul3A_45 = arith.constant 64 : i32
      %mul3A_46 = arith.muli %mul3A_45, %scan3A_16 : i32
      %add3A_47 = arith.constant 0 : i32
      %add3A_48 = arith.addi %mul3A_46, %add3A_47 : i32
      %mul3A_49 = arith.constant 2 : i32
      %mul3A_50 = vector.broadcast %mul3A_49 : i32 to vector<16xi32>
      %mul3A_51 = arith.muli %iota3A, %mul3A_50 : vector<16xi32>
      %add3A_52 = vector.broadcast %add3A_48 : i32 to vector<16xi32>
      %add3A_53 = arith.addi %add3A_52, %mul3A_51 : vector<16xi32>
      tpu.vector_store_idx %arg5[%add3A_53], %gather3A : memref<40000xi32, #tpu.memory_space<vmem>>[vector<16xi32>], vector<16xi32>,
      %add3A_54 = arith.constant 1 : i32
      %add3A_55 = vector.broadcast %add3A_54 : i32 to vector<16xi32>
      %add3A_56 = arith.addi %add3A_53, %add3A_55 : vector<16xi32>
      tpu.vector_store_idx %arg5[%add3A_56], %gather3A_44 : memref<40000xi32, #tpu.memory_space<vmem>>[vector<16xi32>], vector<16xi32>,
      %add3A_57 = arith.constant 16 : i32
      %add3A_58 = arith.addi %sub3A_33, %add3A_57 : i32
      %add3A_59 = vector.broadcast %add3A_58 : i32 to vector<16xi32>
      %add3A_60 = arith.addi %add3A_59, %iota3A : vector<16xi32>
      %gather3A_61 = tpu.vector_load_idx %arg4[%add3A_60] : memref<51200xi32, #tpu.memory_space<vmem>>[vector<16xi32>], vector<16xi32>,
      %add3A_62 = arith.constant 5120 : i32
      %add3A_63 = arith.addi %sub3A_33, %add3A_62 : i32
      %add3A_64 = arith.constant 16 : i32
      %add3A_65 = arith.addi %add3A_63, %add3A_64 : i32
      %add3A_66 = vector.broadcast %add3A_65 : i32 to vector<16xi32>
      %add3A_67 = arith.addi %add3A_66, %iota3A : vector<16xi32>
      %gather3A_68 = tpu.vector_load_idx %arg4[%add3A_67] : memref<51200xi32, #tpu.memory_space<vmem>>[vector<16xi32>], vector<16xi32>,
      %mul3A_69 = arith.constant 64 : i32
      %mul3A_70 = arith.muli %mul3A_69, %scan3A_16 : i32
      %add3A_71 = arith.constant 32 : i32
      %add3A_72 = arith.addi %mul3A_70, %add3A_71 : i32
      %mul3A_73 = arith.constant 2 : i32
      %mul3A_74 = vector.broadcast %mul3A_73 : i32 to vector<16xi32>
      %mul3A_75 = arith.muli %iota3A, %mul3A_74 : vector<16xi32>
      %add3A_76 = vector.broadcast %add3A_72 : i32 to vector<16xi32>
      %add3A_77 = arith.addi %add3A_76, %mul3A_75 : vector<16xi32>
      tpu.vector_store_idx %arg5[%add3A_77], %gather3A_61 : memref<40000xi32, #tpu.memory_space<vmem>>[vector<16xi32>], vector<16xi32>,
      %add3A_78 = arith.constant 1 : i32
      %add3A_79 = vector.broadcast %add3A_78 : i32 to vector<16xi32>
      %add3A_80 = arith.addi %add3A_77, %add3A_79 : vector<16xi32>
      tpu.vector_store_idx %arg5[%add3A_80], %gather3A_68 : memref<40000xi32, #tpu.memory_space<vmem>>[vector<16xi32>], vector<16xi32>,
    }
    %scan3A_15 = arith.constant 625 : i32
    "tpu.region"() ({
      %run_scoped3A = tpu.sem_alloc : memref<!tpu.dma_semaphore, #tpu.memory_space<semaphore_mem>>
      %dma_start3A = arith.constant 0 : i32
      %dma_start3A_16 = tpu.memref_slice %arg3[%add3A, %dma_start3A] : memref<32x40000xi32, #tpu.memory_space<hbm>> -> memref<1x40000xi32, #tpu.memory_space<hbm>>
      %dma_start3A_17 = tpu.memref_squeeze %dma_start3A_16 : memref<1x40000xi32, #tpu.memory_space<hbm>> -> memref<40000xi32, #tpu.memory_space<hbm>>
      %dma_start3A_18 = arith.constant 0 : i32
      %dma_start3A_19 = tpu.memref_slice %arg3[%add3A, %dma_start3A_18] : memref<32x40000xi32, #tpu.memory_space<hbm>> -> memref<1x40000xi32, #tpu.memory_space<hbm>>
      %dma_start3A_20 = tpu.memref_squeeze %dma_start3A_19 : memref<1x40000xi32, #tpu.memory_space<hbm>> -> memref<40000xi32, #tpu.memory_space<hbm>>
      tpu.enqueue_dma source(%arg5 : memref<40000xi32, #tpu.memory_space<vmem>>) target(%dma_start3A_20 : memref<40000xi32, #tpu.memory_space<hbm>>) target_semaphore(%run_scoped3A : memref<!tpu.dma_semaphore, #tpu.memory_space<semaphore_mem>>)
      %dma_wait3A = arith.constant 0 : i32
      %dma_wait3A_21 = tpu.memref_slice %arg3[%add3A, %dma_wait3A] : memref<32x40000xi32, #tpu.memory_space<hbm>> -> memref<1x40000xi32, #tpu.memory_space<hbm>>
      %dma_wait3A_22 = tpu.memref_squeeze %dma_wait3A_21 : memref<1x40000xi32, #tpu.memory_space<hbm>> -> memref<40000xi32, #tpu.memory_space<hbm>>
      %dma_wait3A_23 = arith.constant 0 : i32
      %dma_wait3A_24 = tpu.memref_slice %arg3[%add3A, %dma_wait3A_23] : memref<32x40000xi32, #tpu.memory_space<hbm>> -> memref<1x40000xi32, #tpu.memory_space<hbm>>
      %dma_wait3A_25 = tpu.memref_squeeze %dma_wait3A_24 : memref<1x40000xi32, #tpu.memory_space<hbm>> -> memref<40000xi32, #tpu.memory_space<hbm>>
      tpu.wait_dma2 semaphore(%run_scoped3A : memref<!tpu.dma_semaphore, #tpu.memory_space<semaphore_mem>>) src(%arg5 : memref<40000xi32, #tpu.memory_space<vmem>>) dst(%dma_wait3A_25 : memref<40000xi32, #tpu.memory_space<hbm>>)
      tpu.yield
    }) : () -> ()
    return
  }
}

#map = affine_map<(d0, d1) -> (0, 0)>
module attributes {stable_mosaic.version = 14 : i64} {
  func.func @_sc_gather(%arg0: i32, %arg1: i32, %arg2: memref<640000x64xf32, #tpu.memory_space<hbm>>, %arg3: memref<32x40000xi32, #tpu.memory_space<hbm>>, %arg4: memref<1280000x64xf32, #tpu.memory_space<hbm>>, %arg5: memref<40000xi32, #tpu.memory_space<vmem>>, %arg6: memref<10x80x64xf32, #tpu.memory_space<vmem>>, %arg7: memref<!tpu.dma_semaphore, #tpu.memory_space<semaphore_mem>>, %arg8: memref<!tpu.dma_semaphore, #tpu.memory_space<semaphore_mem>>) attributes {dimension_semantics = [#tpu.dimension_semantics<core_parallel>, #tpu.dimension_semantics<subcore_parallel>], iteration_bounds = array<i64: 2, 16>, scalar_prefetch = 0 : i64, scratch_operands = 4 : i64, tpu.core_type = #tpu.core_type<sc_vector_subcore>, window_params = [{transform_indices = #map}, {transform_indices = #map}, {transform_indices = #map}]} {
    %mul3A = arith.constant 2 : i32
    %mul3A_0 = arith.muli %arg1, %mul3A : i32
    %add3A = arith.addi %mul3A_0, %arg0 : i32
    %mul3A_1 = arith.constant 40000 : i32
    %mul3A_2 = arith.muli %add3A, %mul3A_1 : i32
    "tpu.region"() ({
      %run_scoped3A = tpu.sem_alloc : memref<!tpu.dma_semaphore, #tpu.memory_space<semaphore_mem>>
      %dma_start3A = arith.constant 0 : i32
      %dma_start3A_8 = tpu.memref_slice %arg3[%add3A, %dma_start3A] : memref<32x40000xi32, #tpu.memory_space<hbm>> -> memref<1x40000xi32, #tpu.memory_space<hbm>>
      %dma_start3A_9 = tpu.memref_squeeze %dma_start3A_8 : memref<1x40000xi32, #tpu.memory_space<hbm>> -> memref<40000xi32, #tpu.memory_space<hbm>>
      %dma_start3A_10 = arith.constant 0 : i32
      %dma_start3A_11 = tpu.memref_slice %arg3[%add3A, %dma_start3A_10] : memref<32x40000xi32, #tpu.memory_space<hbm>> -> memref<1x40000xi32, #tpu.memory_space<hbm>>
      %dma_start3A_12 = tpu.memref_squeeze %dma_start3A_11 : memref<1x40000xi32, #tpu.memory_space<hbm>> -> memref<40000xi32, #tpu.memory_space<hbm>>
      tpu.enqueue_dma source(%dma_start3A_12 : memref<40000xi32, #tpu.memory_space<hbm>>) target(%arg5 : memref<40000xi32, #tpu.memory_space<vmem>>) target_semaphore(%run_scoped3A : memref<!tpu.dma_semaphore, #tpu.memory_space<semaphore_mem>>)
      %dma_wait3A = arith.constant 0 : i32
      %dma_wait3A_13 = tpu.memref_slice %arg3[%add3A, %dma_wait3A] : memref<32x40000xi32, #tpu.memory_space<hbm>> -> memref<1x40000xi32, #tpu.memory_space<hbm>>
      %dma_wait3A_14 = tpu.memref_squeeze %dma_wait3A_13 : memref<1x40000xi32, #tpu.memory_space<hbm>> -> memref<40000xi32, #tpu.memory_space<hbm>>
      %dma_wait3A_15 = arith.constant 0 : i32
      %dma_wait3A_16 = tpu.memref_slice %arg3[%add3A, %dma_wait3A_15] : memref<32x40000xi32, #tpu.memory_space<hbm>> -> memref<1x40000xi32, #tpu.memory_space<hbm>>
      %dma_wait3A_17 = tpu.memref_squeeze %dma_wait3A_16 : memref<1x40000xi32, #tpu.memory_space<hbm>> -> memref<40000xi32, #tpu.memory_space<hbm>>
      tpu.wait_dma2 semaphore(%run_scoped3A : memref<!tpu.dma_semaphore, #tpu.memory_space<semaphore_mem>>) src(%dma_wait3A_17 : memref<40000xi32, #tpu.memory_space<hbm>>) dst(%arg5 : memref<40000xi32, #tpu.memory_space<vmem>>)
      tpu.yield
    }) : () -> ()
    %scan3A = arith.constant 0 : i32
    %scan3A_3 = arith.constant 0 : i32
    %scan3A_4 = arith.constant 50 : i32
    %scan3A_5 = arith.addi %scan3A_3, %scan3A_4 : i32
    %scan3A_6 = arith.constant 1 : i32
    scf.for %scan3A_8 = %scan3A_3 to %scan3A_5 step %scan3A_6  : i32 {
      %mul3A_9 = arith.constant 10 : i32
      %mul3A_10 = arith.muli %scan3A_8, %mul3A_9 : i32
      %add3A_11 = arith.constant 0 : i32
      %add3A_12 = arith.addi %mul3A_10, %add3A_11 : i32
      %mul3A_13 = arith.constant 80 : i32
      %mul3A_14 = arith.muli %add3A_12, %mul3A_13 : i32
      %dma_start3A = arith.constant 0 : i32
      %dma_start3A_15 = arith.constant 0 : i32
      %dma_start3A_16 = arith.constant 0 : i32
      %dma_start3A_17 = tpu.memref_slice %arg6[%dma_start3A, %dma_start3A_15, %dma_start3A_16] : memref<10x80x64xf32, #tpu.memory_space<vmem>> -> memref<1x80x64xf32, #tpu.memory_space<vmem>>
      %dma_start3A_18 = tpu.memref_squeeze %dma_start3A_17 : memref<1x80x64xf32, #tpu.memory_space<vmem>> -> memref<80x64xf32, #tpu.memory_space<vmem>>
      %dma_start3A_19 = tpu.memref_slice %arg5[%mul3A_14] : memref<40000xi32, #tpu.memory_space<vmem>> -> memref<80xi32, #tpu.memory_space<vmem>>
      %dma_start3A_20 = arith.constant 0 : i32
      %dma_start3A_21 = arith.constant 0 : i32
      %dma_start3A_22 = tpu.memref_slice %arg2[%dma_start3A_20, %dma_start3A_21] : memref<640000x64xf32, #tpu.memory_space<hbm>> -> memref<640000x64xf32, #tpu.memory_space<hbm>>
      tpu.enqueue_indirect_dma source(%dma_start3A_22 : memref<640000x64xf32, #tpu.memory_space<hbm>>) target(%dma_start3A_18 : memref<80x64xf32, #tpu.memory_space<vmem>>) offsets(%dma_start3A_19 : memref<80xi32, #tpu.memory_space<vmem>>) semaphore(%arg7 : memref<!tpu.dma_semaphore, #tpu.memory_space<semaphore_mem>>)
      %mul3A_23 = arith.constant 10 : i32
      %mul3A_24 = arith.muli %scan3A_8, %mul3A_23 : i32
      %add3A_25 = arith.constant 1 : i32
      %add3A_26 = arith.addi %mul3A_24, %add3A_25 : i32
      %mul3A_27 = arith.constant 80 : i32
      %mul3A_28 = arith.muli %add3A_26, %mul3A_27 : i32
      %dma_start3A_29 = arith.constant 1 : i32
      %dma_start3A_30 = arith.constant 0 : i32
      %dma_start3A_31 = arith.constant 0 : i32
      %dma_start3A_32 = tpu.memref_slice %arg6[%dma_start3A_29, %dma_start3A_30, %dma_start3A_31] : memref<10x80x64xf32, #tpu.memory_space<vmem>> -> memref<1x80x64xf32, #tpu.memory_space<vmem>>
      %dma_start3A_33 = tpu.memref_squeeze %dma_start3A_32 : memref<1x80x64xf32, #tpu.memory_space<vmem>> -> memref<80x64xf32, #tpu.memory_space<vmem>>
      %dma_start3A_34 = tpu.memref_slice %arg5[%mul3A_28] : memref<40000xi32, #tpu.memory_space<vmem>> -> memref<80xi32, #tpu.memory_space<vmem>>
      %dma_start3A_35 = arith.constant 0 : i32
      %dma_start3A_36 = arith.constant 0 : i32
      %dma_start3A_37 = tpu.memref_slice %arg2[%dma_start3A_35, %dma_start3A_36] : memref<640000x64xf32, #tpu.memory_space<hbm>> -> memref<640000x64xf32, #tpu.memory_space<hbm>>
      tpu.enqueue_indirect_dma source(%dma_start3A_37 : memref<640000x64xf32, #tpu.memory_space<hbm>>) target(%dma_start3A_33 : memref<80x64xf32, #tpu.memory_space<vmem>>) offsets(%dma_start3A_34 : memref<80xi32, #tpu.memory_space<vmem>>) semaphore(%arg7 : memref<!tpu.dma_semaphore, #tpu.memory_space<semaphore_mem>>)
      %mul3A_38 = arith.constant 10 : i32
      %mul3A_39 = arith.muli %scan3A_8, %mul3A_38 : i32
      %add3A_40 = arith.constant 2 : i32
      %add3A_41 = arith.addi %mul3A_39, %add3A_40 : i32
      %mul3A_42 = arith.constant 80 : i32
      %mul3A_43 = arith.muli %add3A_41, %mul3A_42 : i32
      %dma_start3A_44 = arith.constant 2 : i32
      %dma_start3A_45 = arith.constant 0 : i32
      %dma_start3A_46 = arith.constant 0 : i32
      %dma_start3A_47 = tpu.memref_slice %arg6[%dma_start3A_44, %dma_start3A_45, %dma_start3A_46] : memref<10x80x64xf32, #tpu.memory_space<vmem>> -> memref<1x80x64xf32, #tpu.memory_space<vmem>>
      %dma_start3A_48 = tpu.memref_squeeze %dma_start3A_47 : memref<1x80x64xf32, #tpu.memory_space<vmem>> -> memref<80x64xf32, #tpu.memory_space<vmem>>
      %dma_start3A_49 = tpu.memref_slice %arg5[%mul3A_43] : memref<40000xi32, #tpu.memory_space<vmem>> -> memref<80xi32, #tpu.memory_space<vmem>>
      %dma_start3A_50 = arith.constant 0 : i32
      %dma_start3A_51 = arith.constant 0 : i32
      %dma_start3A_52 = tpu.memref_slice %arg2[%dma_start3A_50, %dma_start3A_51] : memref<640000x64xf32, #tpu.memory_space<hbm>> -> memref<640000x64xf32, #tpu.memory_space<hbm>>
      tpu.enqueue_indirect_dma source(%dma_start3A_52 : memref<640000x64xf32, #tpu.memory_space<hbm>>) target(%dma_start3A_48 : memref<80x64xf32, #tpu.memory_space<vmem>>) offsets(%dma_start3A_49 : memref<80xi32, #tpu.memory_space<vmem>>) semaphore(%arg7 : memref<!tpu.dma_semaphore, #tpu.memory_space<semaphore_mem>>)
      %mul3A_53 = arith.constant 10 : i32
      %mul3A_54 = arith.muli %scan3A_8, %mul3A_53 : i32
      %add3A_55 = arith.constant 3 : i32
      %add3A_56 = arith.addi %mul3A_54, %add3A_55 : i32
      %mul3A_57 = arith.constant 80 : i32
      %mul3A_58 = arith.muli %add3A_56, %mul3A_57 : i32
      %dma_start3A_59 = arith.constant 3 : i32
      %dma_start3A_60 = arith.constant 0 : i32
      %dma_start3A_61 = arith.constant 0 : i32
      %dma_start3A_62 = tpu.memref_slice %arg6[%dma_start3A_59, %dma_start3A_60, %dma_start3A_61] : memref<10x80x64xf32, #tpu.memory_space<vmem>> -> memref<1x80x64xf32, #tpu.memory_space<vmem>>
      %dma_start3A_63 = tpu.memref_squeeze %dma_start3A_62 : memref<1x80x64xf32, #tpu.memory_space<vmem>> -> memref<80x64xf32, #tpu.memory_space<vmem>>
      %dma_start3A_64 = tpu.memref_slice %arg5[%mul3A_58] : memref<40000xi32, #tpu.memory_space<vmem>> -> memref<80xi32, #tpu.memory_space<vmem>>
      %dma_start3A_65 = arith.constant 0 : i32
      %dma_start3A_66 = arith.constant 0 : i32
      %dma_start3A_67 = tpu.memref_slice %arg2[%dma_start3A_65, %dma_start3A_66] : memref<640000x64xf32, #tpu.memory_space<hbm>> -> memref<640000x64xf32, #tpu.memory_space<hbm>>
      tpu.enqueue_indirect_dma source(%dma_start3A_67 : memref<640000x64xf32, #tpu.memory_space<hbm>>) target(%dma_start3A_63 : memref<80x64xf32, #tpu.memory_space<vmem>>) offsets(%dma_start3A_64 : memref<80xi32, #tpu.memory_space<vmem>>) semaphore(%arg7 : memref<!tpu.dma_semaphore, #tpu.memory_space<semaphore_mem>>)
      %mul3A_68 = arith.constant 10 : i32
      %mul3A_69 = arith.muli %scan3A_8, %mul3A_68 : i32
      %add3A_70 = arith.constant 4 : i32
      %add3A_71 = arith.addi %mul3A_69, %add3A_70 : i32
      %mul3A_72 = arith.constant 80 : i32
      %mul3A_73 = arith.muli %add3A_71, %mul3A_72 : i32
      %dma_start3A_74 = arith.constant 4 : i32
      %dma_start3A_75 = arith.constant 0 : i32
      %dma_start3A_76 = arith.constant 0 : i32
      %dma_start3A_77 = tpu.memref_slice %arg6[%dma_start3A_74, %dma_start3A_75, %dma_start3A_76] : memref<10x80x64xf32, #tpu.memory_space<vmem>> -> memref<1x80x64xf32, #tpu.memory_space<vmem>>
      %dma_start3A_78 = tpu.memref_squeeze %dma_start3A_77 : memref<1x80x64xf32, #tpu.memory_space<vmem>> -> memref<80x64xf32, #tpu.memory_space<vmem>>
      %dma_start3A_79 = tpu.memref_slice %arg5[%mul3A_73] : memref<40000xi32, #tpu.memory_space<vmem>> -> memref<80xi32, #tpu.memory_space<vmem>>
      %dma_start3A_80 = arith.constant 0 : i32
      %dma_start3A_81 = arith.constant 0 : i32
      %dma_start3A_82 = tpu.memref_slice %arg2[%dma_start3A_80, %dma_start3A_81] : memref<640000x64xf32, #tpu.memory_space<hbm>> -> memref<640000x64xf32, #tpu.memory_space<hbm>>
      tpu.enqueue_indirect_dma source(%dma_start3A_82 : memref<640000x64xf32, #tpu.memory_space<hbm>>) target(%dma_start3A_78 : memref<80x64xf32, #tpu.memory_space<vmem>>) offsets(%dma_start3A_79 : memref<80xi32, #tpu.memory_space<vmem>>) semaphore(%arg7 : memref<!tpu.dma_semaphore, #tpu.memory_space<semaphore_mem>>)
      %mul3A_83 = arith.constant 10 : i32
      %mul3A_84 = arith.muli %scan3A_8, %mul3A_83 : i32
      %add3A_85 = arith.constant 5 : i32
      %add3A_86 = arith.addi %mul3A_84, %add3A_85 : i32
      %mul3A_87 = arith.constant 80 : i32
      %mul3A_88 = arith.muli %add3A_86, %mul3A_87 : i32
      %dma_start3A_89 = arith.constant 5 : i32
      %dma_start3A_90 = arith.constant 0 : i32
      %dma_start3A_91 = arith.constant 0 : i32
      %dma_start3A_92 = tpu.memref_slice %arg6[%dma_start3A_89, %dma_start3A_90, %dma_start3A_91] : memref<10x80x64xf32, #tpu.memory_space<vmem>> -> memref<1x80x64xf32, #tpu.memory_space<vmem>>
      %dma_start3A_93 = tpu.memref_squeeze %dma_start3A_92 : memref<1x80x64xf32, #tpu.memory_space<vmem>> -> memref<80x64xf32, #tpu.memory_space<vmem>>
      %dma_start3A_94 = tpu.memref_slice %arg5[%mul3A_88] : memref<40000xi32, #tpu.memory_space<vmem>> -> memref<80xi32, #tpu.memory_space<vmem>>
      %dma_start3A_95 = arith.constant 0 : i32
      %dma_start3A_96 = arith.constant 0 : i32
      %dma_start3A_97 = tpu.memref_slice %arg2[%dma_start3A_95, %dma_start3A_96] : memref<640000x64xf32, #tpu.memory_space<hbm>> -> memref<640000x64xf32, #tpu.memory_space<hbm>>
      tpu.enqueue_indirect_dma source(%dma_start3A_97 : memref<640000x64xf32, #tpu.memory_space<hbm>>) target(%dma_start3A_93 : memref<80x64xf32, #tpu.memory_space<vmem>>) offsets(%dma_start3A_94 : memref<80xi32, #tpu.memory_space<vmem>>) semaphore(%arg7 : memref<!tpu.dma_semaphore, #tpu.memory_space<semaphore_mem>>)
      %mul3A_98 = arith.constant 10 : i32
      %mul3A_99 = arith.muli %scan3A_8, %mul3A_98 : i32
      %add3A_100 = arith.constant 6 : i32
      %add3A_101 = arith.addi %mul3A_99, %add3A_100 : i32
      %mul3A_102 = arith.constant 80 : i32
      %mul3A_103 = arith.muli %add3A_101, %mul3A_102 : i32
      %dma_start3A_104 = arith.constant 6 : i32
      %dma_start3A_105 = arith.constant 0 : i32
      %dma_start3A_106 = arith.constant 0 : i32
      %dma_start3A_107 = tpu.memref_slice %arg6[%dma_start3A_104, %dma_start3A_105, %dma_start3A_106] : memref<10x80x64xf32, #tpu.memory_space<vmem>> -> memref<1x80x64xf32, #tpu.memory_space<vmem>>
      %dma_start3A_108 = tpu.memref_squeeze %dma_start3A_107 : memref<1x80x64xf32, #tpu.memory_space<vmem>> -> memref<80x64xf32, #tpu.memory_space<vmem>>
      %dma_start3A_109 = tpu.memref_slice %arg5[%mul3A_103] : memref<40000xi32, #tpu.memory_space<vmem>> -> memref<80xi32, #tpu.memory_space<vmem>>
      %dma_start3A_110 = arith.constant 0 : i32
      %dma_start3A_111 = arith.constant 0 : i32
      %dma_start3A_112 = tpu.memref_slice %arg2[%dma_start3A_110, %dma_start3A_111] : memref<640000x64xf32, #tpu.memory_space<hbm>> -> memref<640000x64xf32, #tpu.memory_space<hbm>>
      tpu.enqueue_indirect_dma source(%dma_start3A_112 : memref<640000x64xf32, #tpu.memory_space<hbm>>) target(%dma_start3A_108 : memref<80x64xf32, #tpu.memory_space<vmem>>) offsets(%dma_start3A_109 : memref<80xi32, #tpu.memory_space<vmem>>) semaphore(%arg7 : memref<!tpu.dma_semaphore, #tpu.memory_space<semaphore_mem>>)
      %mul3A_113 = arith.constant 10 : i32
      %mul3A_114 = arith.muli %scan3A_8, %mul3A_113 : i32
      %add3A_115 = arith.constant 7 : i32
      %add3A_116 = arith.addi %mul3A_114, %add3A_115 : i32
      %mul3A_117 = arith.constant 80 : i32
      %mul3A_118 = arith.muli %add3A_116, %mul3A_117 : i32
      %dma_start3A_119 = arith.constant 7 : i32
      %dma_start3A_120 = arith.constant 0 : i32
      %dma_start3A_121 = arith.constant 0 : i32
      %dma_start3A_122 = tpu.memref_slice %arg6[%dma_start3A_119, %dma_start3A_120, %dma_start3A_121] : memref<10x80x64xf32, #tpu.memory_space<vmem>> -> memref<1x80x64xf32, #tpu.memory_space<vmem>>
      %dma_start3A_123 = tpu.memref_squeeze %dma_start3A_122 : memref<1x80x64xf32, #tpu.memory_space<vmem>> -> memref<80x64xf32, #tpu.memory_space<vmem>>
      %dma_start3A_124 = tpu.memref_slice %arg5[%mul3A_118] : memref<40000xi32, #tpu.memory_space<vmem>> -> memref<80xi32, #tpu.memory_space<vmem>>
      %dma_start3A_125 = arith.constant 0 : i32
      %dma_start3A_126 = arith.constant 0 : i32
      %dma_start3A_127 = tpu.memref_slice %arg2[%dma_start3A_125, %dma_start3A_126] : memref<640000x64xf32, #tpu.memory_space<hbm>> -> memref<640000x64xf32, #tpu.memory_space<hbm>>
      tpu.enqueue_indirect_dma source(%dma_start3A_127 : memref<640000x64xf32, #tpu.memory_space<hbm>>) target(%dma_start3A_123 : memref<80x64xf32, #tpu.memory_space<vmem>>) offsets(%dma_start3A_124 : memref<80xi32, #tpu.memory_space<vmem>>) semaphore(%arg7 : memref<!tpu.dma_semaphore, #tpu.memory_space<semaphore_mem>>)
      %mul3A_128 = arith.constant 10 : i32
      %mul3A_129 = arith.muli %scan3A_8, %mul3A_128 : i32
      %add3A_130 = arith.constant 8 : i32
      %add3A_131 = arith.addi %mul3A_129, %add3A_130 : i32
      %mul3A_132 = arith.constant 80 : i32
      %mul3A_133 = arith.muli %add3A_131, %mul3A_132 : i32
      %dma_start3A_134 = arith.constant 8 : i32
      %dma_start3A_135 = arith.constant 0 : i32
      %dma_start3A_136 = arith.constant 0 : i32
      %dma_start3A_137 = tpu.memref_slice %arg6[%dma_start3A_134, %dma_start3A_135, %dma_start3A_136] : memref<10x80x64xf32, #tpu.memory_space<vmem>> -> memref<1x80x64xf32, #tpu.memory_space<vmem>>
      %dma_start3A_138 = tpu.memref_squeeze %dma_start3A_137 : memref<1x80x64xf32, #tpu.memory_space<vmem>> -> memref<80x64xf32, #tpu.memory_space<vmem>>
      %dma_start3A_139 = tpu.memref_slice %arg5[%mul3A_133] : memref<40000xi32, #tpu.memory_space<vmem>> -> memref<80xi32, #tpu.memory_space<vmem>>
      %dma_start3A_140 = arith.constant 0 : i32
      %dma_start3A_141 = arith.constant 0 : i32
      %dma_start3A_142 = tpu.memref_slice %arg2[%dma_start3A_140, %dma_start3A_141] : memref<640000x64xf32, #tpu.memory_space<hbm>> -> memref<640000x64xf32, #tpu.memory_space<hbm>>
      tpu.enqueue_indirect_dma source(%dma_start3A_142 : memref<640000x64xf32, #tpu.memory_space<hbm>>) target(%dma_start3A_138 : memref<80x64xf32, #tpu.memory_space<vmem>>) offsets(%dma_start3A_139 : memref<80xi32, #tpu.memory_space<vmem>>) semaphore(%arg7 : memref<!tpu.dma_semaphore, #tpu.memory_space<semaphore_mem>>)
      %mul3A_143 = arith.constant 10 : i32
      %mul3A_144 = arith.muli %scan3A_8, %mul3A_143 : i32
      %add3A_145 = arith.constant 9 : i32
      %add3A_146 = arith.addi %mul3A_144, %add3A_145 : i32
      %mul3A_147 = arith.constant 80 : i32
      %mul3A_148 = arith.muli %add3A_146, %mul3A_147 : i32
      %dma_start3A_149 = arith.constant 9 : i32
      %dma_start3A_150 = arith.constant 0 : i32
      %dma_start3A_151 = arith.constant 0 : i32
      %dma_start3A_152 = tpu.memref_slice %arg6[%dma_start3A_149, %dma_start3A_150, %dma_start3A_151] : memref<10x80x64xf32, #tpu.memory_space<vmem>> -> memref<1x80x64xf32, #tpu.memory_space<vmem>>
      %dma_start3A_153 = tpu.memref_squeeze %dma_start3A_152 : memref<1x80x64xf32, #tpu.memory_space<vmem>> -> memref<80x64xf32, #tpu.memory_space<vmem>>
      %dma_start3A_154 = tpu.memref_slice %arg5[%mul3A_148] : memref<40000xi32, #tpu.memory_space<vmem>> -> memref<80xi32, #tpu.memory_space<vmem>>
      %dma_start3A_155 = arith.constant 0 : i32
      %dma_start3A_156 = arith.constant 0 : i32
      %dma_start3A_157 = tpu.memref_slice %arg2[%dma_start3A_155, %dma_start3A_156] : memref<640000x64xf32, #tpu.memory_space<hbm>> -> memref<640000x64xf32, #tpu.memory_space<hbm>>
      tpu.enqueue_indirect_dma source(%dma_start3A_157 : memref<640000x64xf32, #tpu.memory_space<hbm>>) target(%dma_start3A_153 : memref<80x64xf32, #tpu.memory_space<vmem>>) offsets(%dma_start3A_154 : memref<80xi32, #tpu.memory_space<vmem>>) semaphore(%arg7 : memref<!tpu.dma_semaphore, #tpu.memory_space<semaphore_mem>>)
      %dma_wait3A = arith.constant 0 : i32
      %dma_wait3A_158 = arith.constant 0 : i32
      %dma_wait3A_159 = arith.constant 0 : i32
      %dma_wait3A_160 = tpu.memref_slice %arg6[%dma_wait3A, %dma_wait3A_158, %dma_wait3A_159] : memref<10x80x64xf32, #tpu.memory_space<vmem>> -> memref<1x80x64xf32, #tpu.memory_space<vmem>>
      %dma_wait3A_161 = tpu.memref_squeeze %dma_wait3A_160 : memref<1x80x64xf32, #tpu.memory_space<vmem>> -> memref<80x64xf32, #tpu.memory_space<vmem>>
      %dma_wait3A_162 = tpu.memref_slice %arg5[%mul3A_14] : memref<40000xi32, #tpu.memory_space<vmem>> -> memref<80xi32, #tpu.memory_space<vmem>>
      %dma_wait3A_163 = arith.constant 0 : i32
      %dma_wait3A_164 = arith.constant 0 : i32
      %dma_wait3A_165 = tpu.memref_slice %arg2[%dma_wait3A_163, %dma_wait3A_164] : memref<640000x64xf32, #tpu.memory_space<hbm>> -> memref<640000x64xf32, #tpu.memory_space<hbm>>
      tpu.wait_indirect_dma semaphore(%arg7 : memref<!tpu.dma_semaphore, #tpu.memory_space<semaphore_mem>>) src(%dma_wait3A_165 : memref<640000x64xf32, #tpu.memory_space<hbm>>) dst(%dma_wait3A_161 : memref<80x64xf32, #tpu.memory_space<vmem>>)
      %mul3A_166 = arith.constant 10 : i32
      %mul3A_167 = arith.muli %scan3A_8, %mul3A_166 : i32
      %add3A_168 = arith.constant 0 : i32
      %add3A_169 = arith.addi %mul3A_167, %add3A_168 : i32
      %mul3A_170 = arith.constant 80 : i32
      %mul3A_171 = arith.muli %add3A_169, %mul3A_170 : i32
      %add3A_172 = arith.addi %mul3A_2, %mul3A_171 : i32
      %dma_start3A_173 = arith.constant 0 : i32
      %dma_start3A_174 = arith.constant 0 : i32
      %dma_start3A_175 = arith.constant 0 : i32
      %dma_start3A_176 = tpu.memref_slice %arg6[%dma_start3A_173, %dma_start3A_174, %dma_start3A_175] : memref<10x80x64xf32, #tpu.memory_space<vmem>> -> memref<1x80x64xf32, #tpu.memory_space<vmem>>
      %dma_start3A_177 = tpu.memref_squeeze %dma_start3A_176 : memref<1x80x64xf32, #tpu.memory_space<vmem>> -> memref<80x64xf32, #tpu.memory_space<vmem>>
      %dma_start3A_178 = arith.constant 0 : i32
      %dma_start3A_179 = tpu.memref_slice %arg4[%add3A_172, %dma_start3A_178] : memref<1280000x64xf32, #tpu.memory_space<hbm>> -> memref<80x64xf32, #tpu.memory_space<hbm>>
      %dma_start3A_180 = arith.constant 0 : i32
      %dma_start3A_181 = tpu.memref_slice %arg4[%add3A_172, %dma_start3A_180] : memref<1280000x64xf32, #tpu.memory_space<hbm>> -> memref<80x64xf32, #tpu.memory_space<hbm>>
      %dma_start3A_182 = arith.constant 0 : i32
      %dma_start3A_183 = arith.constant 0 : i32
      %dma_start3A_184 = tpu.memref_slice %arg6[%dma_start3A_173, %dma_start3A_182, %dma_start3A_183] : memref<10x80x64xf32, #tpu.memory_space<vmem>> -> memref<1x80x64xf32, #tpu.memory_space<vmem>>
      %dma_start3A_185 = tpu.memref_squeeze %dma_start3A_184 : memref<1x80x64xf32, #tpu.memory_space<vmem>> -> memref<80x64xf32, #tpu.memory_space<vmem>>
      tpu.enqueue_dma source(%dma_start3A_185 : memref<80x64xf32, #tpu.memory_space<vmem>>) target(%dma_start3A_181 : memref<80x64xf32, #tpu.memory_space<hbm>>) target_semaphore(%arg8 : memref<!tpu.dma_semaphore, #tpu.memory_space<semaphore_mem>>)
      %dma_wait3A_186 = arith.constant 1 : i32
      %dma_wait3A_187 = arith.constant 0 : i32
      %dma_wait3A_188 = arith.constant 0 : i32
      %dma_wait3A_189 = tpu.memref_slice %arg6[%dma_wait3A_186, %dma_wait3A_187, %dma_wait3A_188] : memref<10x80x64xf32, #tpu.memory_space<vmem>> -> memref<1x80x64xf32, #tpu.memory_space<vmem>>
      %dma_wait3A_190 = tpu.memref_squeeze %dma_wait3A_189 : memref<1x80x64xf32, #tpu.memory_space<vmem>> -> memref<80x64xf32, #tpu.memory_space<vmem>>
      %dma_wait3A_191 = tpu.memref_slice %arg5[%mul3A_28] : memref<40000xi32, #tpu.memory_space<vmem>> -> memref<80xi32, #tpu.memory_space<vmem>>
      %dma_wait3A_192 = arith.constant 0 : i32
      %dma_wait3A_193 = arith.constant 0 : i32
      %dma_wait3A_194 = tpu.memref_slice %arg2[%dma_wait3A_192, %dma_wait3A_193] : memref<640000x64xf32, #tpu.memory_space<hbm>> -> memref<640000x64xf32, #tpu.memory_space<hbm>>
      tpu.wait_indirect_dma semaphore(%arg7 : memref<!tpu.dma_semaphore, #tpu.memory_space<semaphore_mem>>) src(%dma_wait3A_194 : memref<640000x64xf32, #tpu.memory_space<hbm>>) dst(%dma_wait3A_190 : memref<80x64xf32, #tpu.memory_space<vmem>>)
      %mul3A_195 = arith.constant 10 : i32
      %mul3A_196 = arith.muli %scan3A_8, %mul3A_195 : i32
      %add3A_197 = arith.constant 1 : i32
      %add3A_198 = arith.addi %mul3A_196, %add3A_197 : i32
      %mul3A_199 = arith.constant 80 : i32
      %mul3A_200 = arith.muli %add3A_198, %mul3A_199 : i32
      %add3A_201 = arith.addi %mul3A_2, %mul3A_200 : i32
      %dma_start3A_202 = arith.constant 1 : i32
      %dma_start3A_203 = arith.constant 0 : i32
      %dma_start3A_204 = arith.constant 0 : i32
      %dma_start3A_205 = tpu.memref_slice %arg6[%dma_start3A_202, %dma_start3A_203, %dma_start3A_204] : memref<10x80x64xf32, #tpu.memory_space<vmem>> -> memref<1x80x64xf32, #tpu.memory_space<vmem>>
      %dma_start3A_206 = tpu.memref_squeeze %dma_start3A_205 : memref<1x80x64xf32, #tpu.memory_space<vmem>> -> memref<80x64xf32, #tpu.memory_space<vmem>>
      %dma_start3A_207 = arith.constant 0 : i32
      %dma_start3A_208 = tpu.memref_slice %arg4[%add3A_201, %dma_start3A_207] : memref<1280000x64xf32, #tpu.memory_space<hbm>> -> memref<80x64xf32, #tpu.memory_space<hbm>>
      %dma_start3A_209 = arith.constant 0 : i32
      %dma_start3A_210 = tpu.memref_slice %arg4[%add3A_201, %dma_start3A_209] : memref<1280000x64xf32, #tpu.memory_space<hbm>> -> memref<80x64xf32, #tpu.memory_space<hbm>>
      %dma_start3A_211 = arith.constant 0 : i32
      %dma_start3A_212 = arith.constant 0 : i32
      %dma_start3A_213 = tpu.memref_slice %arg6[%dma_start3A_202, %dma_start3A_211, %dma_start3A_212] : memref<10x80x64xf32, #tpu.memory_space<vmem>> -> memref<1x80x64xf32, #tpu.memory_space<vmem>>
      %dma_start3A_214 = tpu.memref_squeeze %dma_start3A_213 : memref<1x80x64xf32, #tpu.memory_space<vmem>> -> memref<80x64xf32, #tpu.memory_space<vmem>>
      tpu.enqueue_dma source(%dma_start3A_214 : memref<80x64xf32, #tpu.memory_space<vmem>>) target(%dma_start3A_210 : memref<80x64xf32, #tpu.memory_space<hbm>>) target_semaphore(%arg8 : memref<!tpu.dma_semaphore, #tpu.memory_space<semaphore_mem>>)
      %dma_wait3A_215 = arith.constant 2 : i32
      %dma_wait3A_216 = arith.constant 0 : i32
      %dma_wait3A_217 = arith.constant 0 : i32
      %dma_wait3A_218 = tpu.memref_slice %arg6[%dma_wait3A_215, %dma_wait3A_216, %dma_wait3A_217] : memref<10x80x64xf32, #tpu.memory_space<vmem>> -> memref<1x80x64xf32, #tpu.memory_space<vmem>>
      %dma_wait3A_219 = tpu.memref_squeeze %dma_wait3A_218 : memref<1x80x64xf32, #tpu.memory_space<vmem>> -> memref<80x64xf32, #tpu.memory_space<vmem>>
      %dma_wait3A_220 = tpu.memref_slice %arg5[%mul3A_43] : memref<40000xi32, #tpu.memory_space<vmem>> -> memref<80xi32, #tpu.memory_space<vmem>>
      %dma_wait3A_221 = arith.constant 0 : i32
      %dma_wait3A_222 = arith.constant 0 : i32
      %dma_wait3A_223 = tpu.memref_slice %arg2[%dma_wait3A_221, %dma_wait3A_222] : memref<640000x64xf32, #tpu.memory_space<hbm>> -> memref<640000x64xf32, #tpu.memory_space<hbm>>
      tpu.wait_indirect_dma semaphore(%arg7 : memref<!tpu.dma_semaphore, #tpu.memory_space<semaphore_mem>>) src(%dma_wait3A_223 : memref<640000x64xf32, #tpu.memory_space<hbm>>) dst(%dma_wait3A_219 : memref<80x64xf32, #tpu.memory_space<vmem>>)
      %mul3A_224 = arith.constant 10 : i32
      %mul3A_225 = arith.muli %scan3A_8, %mul3A_224 : i32
      %add3A_226 = arith.constant 2 : i32
      %add3A_227 = arith.addi %mul3A_225, %add3A_226 : i32
      %mul3A_228 = arith.constant 80 : i32
      %mul3A_229 = arith.muli %add3A_227, %mul3A_228 : i32
      %add3A_230 = arith.addi %mul3A_2, %mul3A_229 : i32
      %dma_start3A_231 = arith.constant 2 : i32
      %dma_start3A_232 = arith.constant 0 : i32
      %dma_start3A_233 = arith.constant 0 : i32
      %dma_start3A_234 = tpu.memref_slice %arg6[%dma_start3A_231, %dma_start3A_232, %dma_start3A_233] : memref<10x80x64xf32, #tpu.memory_space<vmem>> -> memref<1x80x64xf32, #tpu.memory_space<vmem>>
      %dma_start3A_235 = tpu.memref_squeeze %dma_start3A_234 : memref<1x80x64xf32, #tpu.memory_space<vmem>> -> memref<80x64xf32, #tpu.memory_space<vmem>>
      %dma_start3A_236 = arith.constant 0 : i32
      %dma_start3A_237 = tpu.memref_slice %arg4[%add3A_230, %dma_start3A_236] : memref<1280000x64xf32, #tpu.memory_space<hbm>> -> memref<80x64xf32, #tpu.memory_space<hbm>>
      %dma_start3A_238 = arith.constant 0 : i32
      %dma_start3A_239 = tpu.memref_slice %arg4[%add3A_230, %dma_start3A_238] : memref<1280000x64xf32, #tpu.memory_space<hbm>> -> memref<80x64xf32, #tpu.memory_space<hbm>>
      %dma_start3A_240 = arith.constant 0 : i32
      %dma_start3A_241 = arith.constant 0 : i32
      %dma_start3A_242 = tpu.memref_slice %arg6[%dma_start3A_231, %dma_start3A_240, %dma_start3A_241] : memref<10x80x64xf32, #tpu.memory_space<vmem>> -> memref<1x80x64xf32, #tpu.memory_space<vmem>>
      %dma_start3A_243 = tpu.memref_squeeze %dma_start3A_242 : memref<1x80x64xf32, #tpu.memory_space<vmem>> -> memref<80x64xf32, #tpu.memory_space<vmem>>
      tpu.enqueue_dma source(%dma_start3A_243 : memref<80x64xf32, #tpu.memory_space<vmem>>) target(%dma_start3A_239 : memref<80x64xf32, #tpu.memory_space<hbm>>) target_semaphore(%arg8 : memref<!tpu.dma_semaphore, #tpu.memory_space<semaphore_mem>>)
      %dma_wait3A_244 = arith.constant 3 : i32
      %dma_wait3A_245 = arith.constant 0 : i32
      %dma_wait3A_246 = arith.constant 0 : i32
      %dma_wait3A_247 = tpu.memref_slice %arg6[%dma_wait3A_244, %dma_wait3A_245, %dma_wait3A_246] : memref<10x80x64xf32, #tpu.memory_space<vmem>> -> memref<1x80x64xf32, #tpu.memory_space<vmem>>
      %dma_wait3A_248 = tpu.memref_squeeze %dma_wait3A_247 : memref<1x80x64xf32, #tpu.memory_space<vmem>> -> memref<80x64xf32, #tpu.memory_space<vmem>>
      %dma_wait3A_249 = tpu.memref_slice %arg5[%mul3A_58] : memref<40000xi32, #tpu.memory_space<vmem>> -> memref<80xi32, #tpu.memory_space<vmem>>
      %dma_wait3A_250 = arith.constant 0 : i32
      %dma_wait3A_251 = arith.constant 0 : i32
      %dma_wait3A_252 = tpu.memref_slice %arg2[%dma_wait3A_250, %dma_wait3A_251] : memref<640000x64xf32, #tpu.memory_space<hbm>> -> memref<640000x64xf32, #tpu.memory_space<hbm>>
      tpu.wait_indirect_dma semaphore(%arg7 : memref<!tpu.dma_semaphore, #tpu.memory_space<semaphore_mem>>) src(%dma_wait3A_252 : memref<640000x64xf32, #tpu.memory_space<hbm>>) dst(%dma_wait3A_248 : memref<80x64xf32, #tpu.memory_space<vmem>>)
      %mul3A_253 = arith.constant 10 : i32
      %mul3A_254 = arith.muli %scan3A_8, %mul3A_253 : i32
      %add3A_255 = arith.constant 3 : i32
      %add3A_256 = arith.addi %mul3A_254, %add3A_255 : i32
      %mul3A_257 = arith.constant 80 : i32
      %mul3A_258 = arith.muli %add3A_256, %mul3A_257 : i32
      %add3A_259 = arith.addi %mul3A_2, %mul3A_258 : i32
      %dma_start3A_260 = arith.constant 3 : i32
      %dma_start3A_261 = arith.constant 0 : i32
      %dma_start3A_262 = arith.constant 0 : i32
      %dma_start3A_263 = tpu.memref_slice %arg6[%dma_start3A_260, %dma_start3A_261, %dma_start3A_262] : memref<10x80x64xf32, #tpu.memory_space<vmem>> -> memref<1x80x64xf32, #tpu.memory_space<vmem>>
      %dma_start3A_264 = tpu.memref_squeeze %dma_start3A_263 : memref<1x80x64xf32, #tpu.memory_space<vmem>> -> memref<80x64xf32, #tpu.memory_space<vmem>>
      %dma_start3A_265 = arith.constant 0 : i32
      %dma_start3A_266 = tpu.memref_slice %arg4[%add3A_259, %dma_start3A_265] : memref<1280000x64xf32, #tpu.memory_space<hbm>> -> memref<80x64xf32, #tpu.memory_space<hbm>>
      %dma_start3A_267 = arith.constant 0 : i32
      %dma_start3A_268 = tpu.memref_slice %arg4[%add3A_259, %dma_start3A_267] : memref<1280000x64xf32, #tpu.memory_space<hbm>> -> memref<80x64xf32, #tpu.memory_space<hbm>>
      %dma_start3A_269 = arith.constant 0 : i32
      %dma_start3A_270 = arith.constant 0 : i32
      %dma_start3A_271 = tpu.memref_slice %arg6[%dma_start3A_260, %dma_start3A_269, %dma_start3A_270] : memref<10x80x64xf32, #tpu.memory_space<vmem>> -> memref<1x80x64xf32, #tpu.memory_space<vmem>>
      %dma_start3A_272 = tpu.memref_squeeze %dma_start3A_271 : memref<1x80x64xf32, #tpu.memory_space<vmem>> -> memref<80x64xf32, #tpu.memory_space<vmem>>
      tpu.enqueue_dma source(%dma_start3A_272 : memref<80x64xf32, #tpu.memory_space<vmem>>) target(%dma_start3A_268 : memref<80x64xf32, #tpu.memory_space<hbm>>) target_semaphore(%arg8 : memref<!tpu.dma_semaphore, #tpu.memory_space<semaphore_mem>>)
      %dma_wait3A_273 = arith.constant 4 : i32
      %dma_wait3A_274 = arith.constant 0 : i32
      %dma_wait3A_275 = arith.constant 0 : i32
      %dma_wait3A_276 = tpu.memref_slice %arg6[%dma_wait3A_273, %dma_wait3A_274, %dma_wait3A_275] : memref<10x80x64xf32, #tpu.memory_space<vmem>> -> memref<1x80x64xf32, #tpu.memory_space<vmem>>
      %dma_wait3A_277 = tpu.memref_squeeze %dma_wait3A_276 : memref<1x80x64xf32, #tpu.memory_space<vmem>> -> memref<80x64xf32, #tpu.memory_space<vmem>>
      %dma_wait3A_278 = tpu.memref_slice %arg5[%mul3A_73] : memref<40000xi32, #tpu.memory_space<vmem>> -> memref<80xi32, #tpu.memory_space<vmem>>
      %dma_wait3A_279 = arith.constant 0 : i32
      %dma_wait3A_280 = arith.constant 0 : i32
      %dma_wait3A_281 = tpu.memref_slice %arg2[%dma_wait3A_279, %dma_wait3A_280] : memref<640000x64xf32, #tpu.memory_space<hbm>> -> memref<640000x64xf32, #tpu.memory_space<hbm>>
      tpu.wait_indirect_dma semaphore(%arg7 : memref<!tpu.dma_semaphore, #tpu.memory_space<semaphore_mem>>) src(%dma_wait3A_281 : memref<640000x64xf32, #tpu.memory_space<hbm>>) dst(%dma_wait3A_277 : memref<80x64xf32, #tpu.memory_space<vmem>>)
      %mul3A_282 = arith.constant 10 : i32
      %mul3A_283 = arith.muli %scan3A_8, %mul3A_282 : i32
      %add3A_284 = arith.constant 4 : i32
      %add3A_285 = arith.addi %mul3A_283, %add3A_284 : i32
      %mul3A_286 = arith.constant 80 : i32
      %mul3A_287 = arith.muli %add3A_285, %mul3A_286 : i32
      %add3A_288 = arith.addi %mul3A_2, %mul3A_287 : i32
      %dma_start3A_289 = arith.constant 4 : i32
      %dma_start3A_290 = arith.constant 0 : i32
      %dma_start3A_291 = arith.constant 0 : i32
      %dma_start3A_292 = tpu.memref_slice %arg6[%dma_start3A_289, %dma_start3A_290, %dma_start3A_291] : memref<10x80x64xf32, #tpu.memory_space<vmem>> -> memref<1x80x64xf32, #tpu.memory_space<vmem>>
      %dma_start3A_293 = tpu.memref_squeeze %dma_start3A_292 : memref<1x80x64xf32, #tpu.memory_space<vmem>> -> memref<80x64xf32, #tpu.memory_space<vmem>>
      %dma_start3A_294 = arith.constant 0 : i32
      %dma_start3A_295 = tpu.memref_slice %arg4[%add3A_288, %dma_start3A_294] : memref<1280000x64xf32, #tpu.memory_space<hbm>> -> memref<80x64xf32, #tpu.memory_space<hbm>>
      %dma_start3A_296 = arith.constant 0 : i32
      %dma_start3A_297 = tpu.memref_slice %arg4[%add3A_288, %dma_start3A_296] : memref<1280000x64xf32, #tpu.memory_space<hbm>> -> memref<80x64xf32, #tpu.memory_space<hbm>>
      %dma_start3A_298 = arith.constant 0 : i32
      %dma_start3A_299 = arith.constant 0 : i32
      %dma_start3A_300 = tpu.memref_slice %arg6[%dma_start3A_289, %dma_start3A_298, %dma_start3A_299] : memref<10x80x64xf32, #tpu.memory_space<vmem>> -> memref<1x80x64xf32, #tpu.memory_space<vmem>>
      %dma_start3A_301 = tpu.memref_squeeze %dma_start3A_300 : memref<1x80x64xf32, #tpu.memory_space<vmem>> -> memref<80x64xf32, #tpu.memory_space<vmem>>
      tpu.enqueue_dma source(%dma_start3A_301 : memref<80x64xf32, #tpu.memory_space<vmem>>) target(%dma_start3A_297 : memref<80x64xf32, #tpu.memory_space<hbm>>) target_semaphore(%arg8 : memref<!tpu.dma_semaphore, #tpu.memory_space<semaphore_mem>>)
      %dma_wait3A_302 = arith.constant 5 : i32
      %dma_wait3A_303 = arith.constant 0 : i32
      %dma_wait3A_304 = arith.constant 0 : i32
      %dma_wait3A_305 = tpu.memref_slice %arg6[%dma_wait3A_302, %dma_wait3A_303, %dma_wait3A_304] : memref<10x80x64xf32, #tpu.memory_space<vmem>> -> memref<1x80x64xf32, #tpu.memory_space<vmem>>
      %dma_wait3A_306 = tpu.memref_squeeze %dma_wait3A_305 : memref<1x80x64xf32, #tpu.memory_space<vmem>> -> memref<80x64xf32, #tpu.memory_space<vmem>>
      %dma_wait3A_307 = tpu.memref_slice %arg5[%mul3A_88] : memref<40000xi32, #tpu.memory_space<vmem>> -> memref<80xi32, #tpu.memory_space<vmem>>
      %dma_wait3A_308 = arith.constant 0 : i32
      %dma_wait3A_309 = arith.constant 0 : i32
      %dma_wait3A_310 = tpu.memref_slice %arg2[%dma_wait3A_308, %dma_wait3A_309] : memref<640000x64xf32, #tpu.memory_space<hbm>> -> memref<640000x64xf32, #tpu.memory_space<hbm>>
      tpu.wait_indirect_dma semaphore(%arg7 : memref<!tpu.dma_semaphore, #tpu.memory_space<semaphore_mem>>) src(%dma_wait3A_310 : memref<640000x64xf32, #tpu.memory_space<hbm>>) dst(%dma_wait3A_306 : memref<80x64xf32, #tpu.memory_space<vmem>>)
      %mul3A_311 = arith.constant 10 : i32
      %mul3A_312 = arith.muli %scan3A_8, %mul3A_311 : i32
      %add3A_313 = arith.constant 5 : i32
      %add3A_314 = arith.addi %mul3A_312, %add3A_313 : i32
      %mul3A_315 = arith.constant 80 : i32
      %mul3A_316 = arith.muli %add3A_314, %mul3A_315 : i32
      %add3A_317 = arith.addi %mul3A_2, %mul3A_316 : i32
      %dma_start3A_318 = arith.constant 5 : i32
      %dma_start3A_319 = arith.constant 0 : i32
      %dma_start3A_320 = arith.constant 0 : i32
      %dma_start3A_321 = tpu.memref_slice %arg6[%dma_start3A_318, %dma_start3A_319, %dma_start3A_320] : memref<10x80x64xf32, #tpu.memory_space<vmem>> -> memref<1x80x64xf32, #tpu.memory_space<vmem>>
      %dma_start3A_322 = tpu.memref_squeeze %dma_start3A_321 : memref<1x80x64xf32, #tpu.memory_space<vmem>> -> memref<80x64xf32, #tpu.memory_space<vmem>>
      %dma_start3A_323 = arith.constant 0 : i32
      %dma_start3A_324 = tpu.memref_slice %arg4[%add3A_317, %dma_start3A_323] : memref<1280000x64xf32, #tpu.memory_space<hbm>> -> memref<80x64xf32, #tpu.memory_space<hbm>>
      %dma_start3A_325 = arith.constant 0 : i32
      %dma_start3A_326 = tpu.memref_slice %arg4[%add3A_317, %dma_start3A_325] : memref<1280000x64xf32, #tpu.memory_space<hbm>> -> memref<80x64xf32, #tpu.memory_space<hbm>>
      %dma_start3A_327 = arith.constant 0 : i32
      %dma_start3A_328 = arith.constant 0 : i32
      %dma_start3A_329 = tpu.memref_slice %arg6[%dma_start3A_318, %dma_start3A_327, %dma_start3A_328] : memref<10x80x64xf32, #tpu.memory_space<vmem>> -> memref<1x80x64xf32, #tpu.memory_space<vmem>>
      %dma_start3A_330 = tpu.memref_squeeze %dma_start3A_329 : memref<1x80x64xf32, #tpu.memory_space<vmem>> -> memref<80x64xf32, #tpu.memory_space<vmem>>
      tpu.enqueue_dma source(%dma_start3A_330 : memref<80x64xf32, #tpu.memory_space<vmem>>) target(%dma_start3A_326 : memref<80x64xf32, #tpu.memory_space<hbm>>) target_semaphore(%arg8 : memref<!tpu.dma_semaphore, #tpu.memory_space<semaphore_mem>>)
      %dma_wait3A_331 = arith.constant 6 : i32
      %dma_wait3A_332 = arith.constant 0 : i32
      %dma_wait3A_333 = arith.constant 0 : i32
      %dma_wait3A_334 = tpu.memref_slice %arg6[%dma_wait3A_331, %dma_wait3A_332, %dma_wait3A_333] : memref<10x80x64xf32, #tpu.memory_space<vmem>> -> memref<1x80x64xf32, #tpu.memory_space<vmem>>
      %dma_wait3A_335 = tpu.memref_squeeze %dma_wait3A_334 : memref<1x80x64xf32, #tpu.memory_space<vmem>> -> memref<80x64xf32, #tpu.memory_space<vmem>>
      %dma_wait3A_336 = tpu.memref_slice %arg5[%mul3A_103] : memref<40000xi32, #tpu.memory_space<vmem>> -> memref<80xi32, #tpu.memory_space<vmem>>
      %dma_wait3A_337 = arith.constant 0 : i32
      %dma_wait3A_338 = arith.constant 0 : i32
      %dma_wait3A_339 = tpu.memref_slice %arg2[%dma_wait3A_337, %dma_wait3A_338] : memref<640000x64xf32, #tpu.memory_space<hbm>> -> memref<640000x64xf32, #tpu.memory_space<hbm>>
      tpu.wait_indirect_dma semaphore(%arg7 : memref<!tpu.dma_semaphore, #tpu.memory_space<semaphore_mem>>) src(%dma_wait3A_339 : memref<640000x64xf32, #tpu.memory_space<hbm>>) dst(%dma_wait3A_335 : memref<80x64xf32, #tpu.memory_space<vmem>>)
      %mul3A_340 = arith.constant 10 : i32
      %mul3A_341 = arith.muli %scan3A_8, %mul3A_340 : i32
      %add3A_342 = arith.constant 6 : i32
      %add3A_343 = arith.addi %mul3A_341, %add3A_342 : i32
      %mul3A_344 = arith.constant 80 : i32
      %mul3A_345 = arith.muli %add3A_343, %mul3A_344 : i32
      %add3A_346 = arith.addi %mul3A_2, %mul3A_345 : i32
      %dma_start3A_347 = arith.constant 6 : i32
      %dma_start3A_348 = arith.constant 0 : i32
      %dma_start3A_349 = arith.constant 0 : i32
      %dma_start3A_350 = tpu.memref_slice %arg6[%dma_start3A_347, %dma_start3A_348, %dma_start3A_349] : memref<10x80x64xf32, #tpu.memory_space<vmem>> -> memref<1x80x64xf32, #tpu.memory_space<vmem>>
      %dma_start3A_351 = tpu.memref_squeeze %dma_start3A_350 : memref<1x80x64xf32, #tpu.memory_space<vmem>> -> memref<80x64xf32, #tpu.memory_space<vmem>>
      %dma_start3A_352 = arith.constant 0 : i32
      %dma_start3A_353 = tpu.memref_slice %arg4[%add3A_346, %dma_start3A_352] : memref<1280000x64xf32, #tpu.memory_space<hbm>> -> memref<80x64xf32, #tpu.memory_space<hbm>>
      %dma_start3A_354 = arith.constant 0 : i32
      %dma_start3A_355 = tpu.memref_slice %arg4[%add3A_346, %dma_start3A_354] : memref<1280000x64xf32, #tpu.memory_space<hbm>> -> memref<80x64xf32, #tpu.memory_space<hbm>>
      %dma_start3A_356 = arith.constant 0 : i32
      %dma_start3A_357 = arith.constant 0 : i32
      %dma_start3A_358 = tpu.memref_slice %arg6[%dma_start3A_347, %dma_start3A_356, %dma_start3A_357] : memref<10x80x64xf32, #tpu.memory_space<vmem>> -> memref<1x80x64xf32, #tpu.memory_space<vmem>>
      %dma_start3A_359 = tpu.memref_squeeze %dma_start3A_358 : memref<1x80x64xf32, #tpu.memory_space<vmem>> -> memref<80x64xf32, #tpu.memory_space<vmem>>
      tpu.enqueue_dma source(%dma_start3A_359 : memref<80x64xf32, #tpu.memory_space<vmem>>) target(%dma_start3A_355 : memref<80x64xf32, #tpu.memory_space<hbm>>) target_semaphore(%arg8 : memref<!tpu.dma_semaphore, #tpu.memory_space<semaphore_mem>>)
      %dma_wait3A_360 = arith.constant 7 : i32
      %dma_wait3A_361 = arith.constant 0 : i32
      %dma_wait3A_362 = arith.constant 0 : i32
      %dma_wait3A_363 = tpu.memref_slice %arg6[%dma_wait3A_360, %dma_wait3A_361, %dma_wait3A_362] : memref<10x80x64xf32, #tpu.memory_space<vmem>> -> memref<1x80x64xf32, #tpu.memory_space<vmem>>
      %dma_wait3A_364 = tpu.memref_squeeze %dma_wait3A_363 : memref<1x80x64xf32, #tpu.memory_space<vmem>> -> memref<80x64xf32, #tpu.memory_space<vmem>>
      %dma_wait3A_365 = tpu.memref_slice %arg5[%mul3A_118] : memref<40000xi32, #tpu.memory_space<vmem>> -> memref<80xi32, #tpu.memory_space<vmem>>
      %dma_wait3A_366 = arith.constant 0 : i32
      %dma_wait3A_367 = arith.constant 0 : i32
      %dma_wait3A_368 = tpu.memref_slice %arg2[%dma_wait3A_366, %dma_wait3A_367] : memref<640000x64xf32, #tpu.memory_space<hbm>> -> memref<640000x64xf32, #tpu.memory_space<hbm>>
      tpu.wait_indirect_dma semaphore(%arg7 : memref<!tpu.dma_semaphore, #tpu.memory_space<semaphore_mem>>) src(%dma_wait3A_368 : memref<640000x64xf32, #tpu.memory_space<hbm>>) dst(%dma_wait3A_364 : memref<80x64xf32, #tpu.memory_space<vmem>>)
      %mul3A_369 = arith.constant 10 : i32
      %mul3A_370 = arith.muli %scan3A_8, %mul3A_369 : i32
      %add3A_371 = arith.constant 7 : i32
      %add3A_372 = arith.addi %mul3A_370, %add3A_371 : i32
      %mul3A_373 = arith.constant 80 : i32
      %mul3A_374 = arith.muli %add3A_372, %mul3A_373 : i32
      %add3A_375 = arith.addi %mul3A_2, %mul3A_374 : i32
      %dma_start3A_376 = arith.constant 7 : i32
      %dma_start3A_377 = arith.constant 0 : i32
      %dma_start3A_378 = arith.constant 0 : i32
      %dma_start3A_379 = tpu.memref_slice %arg6[%dma_start3A_376, %dma_start3A_377, %dma_start3A_378] : memref<10x80x64xf32, #tpu.memory_space<vmem>> -> memref<1x80x64xf32, #tpu.memory_space<vmem>>
      %dma_start3A_380 = tpu.memref_squeeze %dma_start3A_379 : memref<1x80x64xf32, #tpu.memory_space<vmem>> -> memref<80x64xf32, #tpu.memory_space<vmem>>
      %dma_start3A_381 = arith.constant 0 : i32
      %dma_start3A_382 = tpu.memref_slice %arg4[%add3A_375, %dma_start3A_381] : memref<1280000x64xf32, #tpu.memory_space<hbm>> -> memref<80x64xf32, #tpu.memory_space<hbm>>
      %dma_start3A_383 = arith.constant 0 : i32
      %dma_start3A_384 = tpu.memref_slice %arg4[%add3A_375, %dma_start3A_383] : memref<1280000x64xf32, #tpu.memory_space<hbm>> -> memref<80x64xf32, #tpu.memory_space<hbm>>
      %dma_start3A_385 = arith.constant 0 : i32
      %dma_start3A_386 = arith.constant 0 : i32
      %dma_start3A_387 = tpu.memref_slice %arg6[%dma_start3A_376, %dma_start3A_385, %dma_start3A_386] : memref<10x80x64xf32, #tpu.memory_space<vmem>> -> memref<1x80x64xf32, #tpu.memory_space<vmem>>
      %dma_start3A_388 = tpu.memref_squeeze %dma_start3A_387 : memref<1x80x64xf32, #tpu.memory_space<vmem>> -> memref<80x64xf32, #tpu.memory_space<vmem>>
      tpu.enqueue_dma source(%dma_start3A_388 : memref<80x64xf32, #tpu.memory_space<vmem>>) target(%dma_start3A_384 : memref<80x64xf32, #tpu.memory_space<hbm>>) target_semaphore(%arg8 : memref<!tpu.dma_semaphore, #tpu.memory_space<semaphore_mem>>)
      %dma_wait3A_389 = arith.constant 8 : i32
      %dma_wait3A_390 = arith.constant 0 : i32
      %dma_wait3A_391 = arith.constant 0 : i32
      %dma_wait3A_392 = tpu.memref_slice %arg6[%dma_wait3A_389, %dma_wait3A_390, %dma_wait3A_391] : memref<10x80x64xf32, #tpu.memory_space<vmem>> -> memref<1x80x64xf32, #tpu.memory_space<vmem>>
      %dma_wait3A_393 = tpu.memref_squeeze %dma_wait3A_392 : memref<1x80x64xf32, #tpu.memory_space<vmem>> -> memref<80x64xf32, #tpu.memory_space<vmem>>
      %dma_wait3A_394 = tpu.memref_slice %arg5[%mul3A_133] : memref<40000xi32, #tpu.memory_space<vmem>> -> memref<80xi32, #tpu.memory_space<vmem>>
      %dma_wait3A_395 = arith.constant 0 : i32
      %dma_wait3A_396 = arith.constant 0 : i32
      %dma_wait3A_397 = tpu.memref_slice %arg2[%dma_wait3A_395, %dma_wait3A_396] : memref<640000x64xf32, #tpu.memory_space<hbm>> -> memref<640000x64xf32, #tpu.memory_space<hbm>>
      tpu.wait_indirect_dma semaphore(%arg7 : memref<!tpu.dma_semaphore, #tpu.memory_space<semaphore_mem>>) src(%dma_wait3A_397 : memref<640000x64xf32, #tpu.memory_space<hbm>>) dst(%dma_wait3A_393 : memref<80x64xf32, #tpu.memory_space<vmem>>)
      %mul3A_398 = arith.constant 10 : i32
      %mul3A_399 = arith.muli %scan3A_8, %mul3A_398 : i32
      %add3A_400 = arith.constant 8 : i32
      %add3A_401 = arith.addi %mul3A_399, %add3A_400 : i32
      %mul3A_402 = arith.constant 80 : i32
      %mul3A_403 = arith.muli %add3A_401, %mul3A_402 : i32
      %add3A_404 = arith.addi %mul3A_2, %mul3A_403 : i32
      %dma_start3A_405 = arith.constant 8 : i32
      %dma_start3A_406 = arith.constant 0 : i32
      %dma_start3A_407 = arith.constant 0 : i32
      %dma_start3A_408 = tpu.memref_slice %arg6[%dma_start3A_405, %dma_start3A_406, %dma_start3A_407] : memref<10x80x64xf32, #tpu.memory_space<vmem>> -> memref<1x80x64xf32, #tpu.memory_space<vmem>>
      %dma_start3A_409 = tpu.memref_squeeze %dma_start3A_408 : memref<1x80x64xf32, #tpu.memory_space<vmem>> -> memref<80x64xf32, #tpu.memory_space<vmem>>
      %dma_start3A_410 = arith.constant 0 : i32
      %dma_start3A_411 = tpu.memref_slice %arg4[%add3A_404, %dma_start3A_410] : memref<1280000x64xf32, #tpu.memory_space<hbm>> -> memref<80x64xf32, #tpu.memory_space<hbm>>
      %dma_start3A_412 = arith.constant 0 : i32
      %dma_start3A_413 = tpu.memref_slice %arg4[%add3A_404, %dma_start3A_412] : memref<1280000x64xf32, #tpu.memory_space<hbm>> -> memref<80x64xf32, #tpu.memory_space<hbm>>
      %dma_start3A_414 = arith.constant 0 : i32
      %dma_start3A_415 = arith.constant 0 : i32
      %dma_start3A_416 = tpu.memref_slice %arg6[%dma_start3A_405, %dma_start3A_414, %dma_start3A_415] : memref<10x80x64xf32, #tpu.memory_space<vmem>> -> memref<1x80x64xf32, #tpu.memory_space<vmem>>
      %dma_start3A_417 = tpu.memref_squeeze %dma_start3A_416 : memref<1x80x64xf32, #tpu.memory_space<vmem>> -> memref<80x64xf32, #tpu.memory_space<vmem>>
      tpu.enqueue_dma source(%dma_start3A_417 : memref<80x64xf32, #tpu.memory_space<vmem>>) target(%dma_start3A_413 : memref<80x64xf32, #tpu.memory_space<hbm>>) target_semaphore(%arg8 : memref<!tpu.dma_semaphore, #tpu.memory_space<semaphore_mem>>)
      %dma_wait3A_418 = arith.constant 9 : i32
      %dma_wait3A_419 = arith.constant 0 : i32
      %dma_wait3A_420 = arith.constant 0 : i32
      %dma_wait3A_421 = tpu.memref_slice %arg6[%dma_wait3A_418, %dma_wait3A_419, %dma_wait3A_420] : memref<10x80x64xf32, #tpu.memory_space<vmem>> -> memref<1x80x64xf32, #tpu.memory_space<vmem>>
      %dma_wait3A_422 = tpu.memref_squeeze %dma_wait3A_421 : memref<1x80x64xf32, #tpu.memory_space<vmem>> -> memref<80x64xf32, #tpu.memory_space<vmem>>
      %dma_wait3A_423 = tpu.memref_slice %arg5[%mul3A_148] : memref<40000xi32, #tpu.memory_space<vmem>> -> memref<80xi32, #tpu.memory_space<vmem>>
      %dma_wait3A_424 = arith.constant 0 : i32
      %dma_wait3A_425 = arith.constant 0 : i32
      %dma_wait3A_426 = tpu.memref_slice %arg2[%dma_wait3A_424, %dma_wait3A_425] : memref<640000x64xf32, #tpu.memory_space<hbm>> -> memref<640000x64xf32, #tpu.memory_space<hbm>>
      tpu.wait_indirect_dma semaphore(%arg7 : memref<!tpu.dma_semaphore, #tpu.memory_space<semaphore_mem>>) src(%dma_wait3A_426 : memref<640000x64xf32, #tpu.memory_space<hbm>>) dst(%dma_wait3A_422 : memref<80x64xf32, #tpu.memory_space<vmem>>)
      %mul3A_427 = arith.constant 10 : i32
      %mul3A_428 = arith.muli %scan3A_8, %mul3A_427 : i32
      %add3A_429 = arith.constant 9 : i32
      %add3A_430 = arith.addi %mul3A_428, %add3A_429 : i32
      %mul3A_431 = arith.constant 80 : i32
      %mul3A_432 = arith.muli %add3A_430, %mul3A_431 : i32
      %add3A_433 = arith.addi %mul3A_2, %mul3A_432 : i32
      %dma_start3A_434 = arith.constant 9 : i32
      %dma_start3A_435 = arith.constant 0 : i32
      %dma_start3A_436 = arith.constant 0 : i32
      %dma_start3A_437 = tpu.memref_slice %arg6[%dma_start3A_434, %dma_start3A_435, %dma_start3A_436] : memref<10x80x64xf32, #tpu.memory_space<vmem>> -> memref<1x80x64xf32, #tpu.memory_space<vmem>>
      %dma_start3A_438 = tpu.memref_squeeze %dma_start3A_437 : memref<1x80x64xf32, #tpu.memory_space<vmem>> -> memref<80x64xf32, #tpu.memory_space<vmem>>
      %dma_start3A_439 = arith.constant 0 : i32
      %dma_start3A_440 = tpu.memref_slice %arg4[%add3A_433, %dma_start3A_439] : memref<1280000x64xf32, #tpu.memory_space<hbm>> -> memref<80x64xf32, #tpu.memory_space<hbm>>
      %dma_start3A_441 = arith.constant 0 : i32
      %dma_start3A_442 = tpu.memref_slice %arg4[%add3A_433, %dma_start3A_441] : memref<1280000x64xf32, #tpu.memory_space<hbm>> -> memref<80x64xf32, #tpu.memory_space<hbm>>
      %dma_start3A_443 = arith.constant 0 : i32
      %dma_start3A_444 = arith.constant 0 : i32
      %dma_start3A_445 = tpu.memref_slice %arg6[%dma_start3A_434, %dma_start3A_443, %dma_start3A_444] : memref<10x80x64xf32, #tpu.memory_space<vmem>> -> memref<1x80x64xf32, #tpu.memory_space<vmem>>
      %dma_start3A_446 = tpu.memref_squeeze %dma_start3A_445 : memref<1x80x64xf32, #tpu.memory_space<vmem>> -> memref<80x64xf32, #tpu.memory_space<vmem>>
      tpu.enqueue_dma source(%dma_start3A_446 : memref<80x64xf32, #tpu.memory_space<vmem>>) target(%dma_start3A_442 : memref<80x64xf32, #tpu.memory_space<hbm>>) target_semaphore(%arg8 : memref<!tpu.dma_semaphore, #tpu.memory_space<semaphore_mem>>)
      %dma_wait3A_447 = arith.constant 0 : i32
      %dma_wait3A_448 = arith.constant 0 : i32
      %dma_wait3A_449 = arith.constant 0 : i32
      %dma_wait3A_450 = tpu.memref_slice %arg6[%dma_wait3A_447, %dma_wait3A_448, %dma_wait3A_449] : memref<10x80x64xf32, #tpu.memory_space<vmem>> -> memref<1x80x64xf32, #tpu.memory_space<vmem>>
      %dma_wait3A_451 = tpu.memref_squeeze %dma_wait3A_450 : memref<1x80x64xf32, #tpu.memory_space<vmem>> -> memref<80x64xf32, #tpu.memory_space<vmem>>
      %dma_wait3A_452 = arith.constant 0 : i32
      %dma_wait3A_453 = tpu.memref_slice %arg4[%add3A_172, %dma_wait3A_452] : memref<1280000x64xf32, #tpu.memory_space<hbm>> -> memref<80x64xf32, #tpu.memory_space<hbm>>
      %dma_wait3A_454 = arith.constant 0 : i32
      %dma_wait3A_455 = tpu.memref_slice %arg4[%add3A_172, %dma_wait3A_454] : memref<1280000x64xf32, #tpu.memory_space<hbm>> -> memref<80x64xf32, #tpu.memory_space<hbm>>
      %dma_wait3A_456 = arith.constant 0 : i32
      %dma_wait3A_457 = arith.constant 0 : i32
      %dma_wait3A_458 = tpu.memref_slice %arg6[%dma_wait3A_447, %dma_wait3A_456, %dma_wait3A_457] : memref<10x80x64xf32, #tpu.memory_space<vmem>> -> memref<1x80x64xf32, #tpu.memory_space<vmem>>
      %dma_wait3A_459 = tpu.memref_squeeze %dma_wait3A_458 : memref<1x80x64xf32, #tpu.memory_space<vmem>> -> memref<80x64xf32, #tpu.memory_space<vmem>>
      tpu.wait_dma2 semaphore(%arg8 : memref<!tpu.dma_semaphore, #tpu.memory_space<semaphore_mem>>) src(%dma_wait3A_459 : memref<80x64xf32, #tpu.memory_space<vmem>>) dst(%dma_wait3A_455 : memref<80x64xf32, #tpu.memory_space<hbm>>)
      %dma_wait3A_460 = arith.constant 1 : i32
      %dma_wait3A_461 = arith.constant 0 : i32
      %dma_wait3A_462 = arith.constant 0 : i32
      %dma_wait3A_463 = tpu.memref_slice %arg6[%dma_wait3A_460, %dma_wait3A_461, %dma_wait3A_462] : memref<10x80x64xf32, #tpu.memory_space<vmem>> -> memref<1x80x64xf32, #tpu.memory_space<vmem>>
      %dma_wait3A_464 = tpu.memref_squeeze %dma_wait3A_463 : memref<1x80x64xf32, #tpu.memory_space<vmem>> -> memref<80x64xf32, #tpu.memory_space<vmem>>
      %dma_wait3A_465 = arith.constant 0 : i32
      %dma_wait3A_466 = tpu.memref_slice %arg4[%add3A_201, %dma_wait3A_465] : memref<1280000x64xf32, #tpu.memory_space<hbm>> -> memref<80x64xf32, #tpu.memory_space<hbm>>
      %dma_wait3A_467 = arith.constant 0 : i32
      %dma_wait3A_468 = tpu.memref_slice %arg4[%add3A_201, %dma_wait3A_467] : memref<1280000x64xf32, #tpu.memory_space<hbm>> -> memref<80x64xf32, #tpu.memory_space<hbm>>
      %dma_wait3A_469 = arith.constant 0 : i32
      %dma_wait3A_470 = arith.constant 0 : i32
      %dma_wait3A_471 = tpu.memref_slice %arg6[%dma_wait3A_460, %dma_wait3A_469, %dma_wait3A_470] : memref<10x80x64xf32, #tpu.memory_space<vmem>> -> memref<1x80x64xf32, #tpu.memory_space<vmem>>
      %dma_wait3A_472 = tpu.memref_squeeze %dma_wait3A_471 : memref<1x80x64xf32, #tpu.memory_space<vmem>> -> memref<80x64xf32, #tpu.memory_space<vmem>>
      tpu.wait_dma2 semaphore(%arg8 : memref<!tpu.dma_semaphore, #tpu.memory_space<semaphore_mem>>) src(%dma_wait3A_472 : memref<80x64xf32, #tpu.memory_space<vmem>>) dst(%dma_wait3A_468 : memref<80x64xf32, #tpu.memory_space<hbm>>)
      %dma_wait3A_473 = arith.constant 2 : i32
      %dma_wait3A_474 = arith.constant 0 : i32
      %dma_wait3A_475 = arith.constant 0 : i32
      %dma_wait3A_476 = tpu.memref_slice %arg6[%dma_wait3A_473, %dma_wait3A_474, %dma_wait3A_475] : memref<10x80x64xf32, #tpu.memory_space<vmem>> -> memref<1x80x64xf32, #tpu.memory_space<vmem>>
      %dma_wait3A_477 = tpu.memref_squeeze %dma_wait3A_476 : memref<1x80x64xf32, #tpu.memory_space<vmem>> -> memref<80x64xf32, #tpu.memory_space<vmem>>
      %dma_wait3A_478 = arith.constant 0 : i32
      %dma_wait3A_479 = tpu.memref_slice %arg4[%add3A_230, %dma_wait3A_478] : memref<1280000x64xf32, #tpu.memory_space<hbm>> -> memref<80x64xf32, #tpu.memory_space<hbm>>
      %dma_wait3A_480 = arith.constant 0 : i32
      %dma_wait3A_481 = tpu.memref_slice %arg4[%add3A_230, %dma_wait3A_480] : memref<1280000x64xf32, #tpu.memory_space<hbm>> -> memref<80x64xf32, #tpu.memory_space<hbm>>
      %dma_wait3A_482 = arith.constant 0 : i32
      %dma_wait3A_483 = arith.constant 0 : i32
      %dma_wait3A_484 = tpu.memref_slice %arg6[%dma_wait3A_473, %dma_wait3A_482, %dma_wait3A_483] : memref<10x80x64xf32, #tpu.memory_space<vmem>> -> memref<1x80x64xf32, #tpu.memory_space<vmem>>
      %dma_wait3A_485 = tpu.memref_squeeze %dma_wait3A_484 : memref<1x80x64xf32, #tpu.memory_space<vmem>> -> memref<80x64xf32, #tpu.memory_space<vmem>>
      tpu.wait_dma2 semaphore(%arg8 : memref<!tpu.dma_semaphore, #tpu.memory_space<semaphore_mem>>) src(%dma_wait3A_485 : memref<80x64xf32, #tpu.memory_space<vmem>>) dst(%dma_wait3A_481 : memref<80x64xf32, #tpu.memory_space<hbm>>)
      %dma_wait3A_486 = arith.constant 3 : i32
      %dma_wait3A_487 = arith.constant 0 : i32
      %dma_wait3A_488 = arith.constant 0 : i32
      %dma_wait3A_489 = tpu.memref_slice %arg6[%dma_wait3A_486, %dma_wait3A_487, %dma_wait3A_488] : memref<10x80x64xf32, #tpu.memory_space<vmem>> -> memref<1x80x64xf32, #tpu.memory_space<vmem>>
      %dma_wait3A_490 = tpu.memref_squeeze %dma_wait3A_489 : memref<1x80x64xf32, #tpu.memory_space<vmem>> -> memref<80x64xf32, #tpu.memory_space<vmem>>
      %dma_wait3A_491 = arith.constant 0 : i32
      %dma_wait3A_492 = tpu.memref_slice %arg4[%add3A_259, %dma_wait3A_491] : memref<1280000x64xf32, #tpu.memory_space<hbm>> -> memref<80x64xf32, #tpu.memory_space<hbm>>
      %dma_wait3A_493 = arith.constant 0 : i32
      %dma_wait3A_494 = tpu.memref_slice %arg4[%add3A_259, %dma_wait3A_493] : memref<1280000x64xf32, #tpu.memory_space<hbm>> -> memref<80x64xf32, #tpu.memory_space<hbm>>
      %dma_wait3A_495 = arith.constant 0 : i32
      %dma_wait3A_496 = arith.constant 0 : i32
      %dma_wait3A_497 = tpu.memref_slice %arg6[%dma_wait3A_486, %dma_wait3A_495, %dma_wait3A_496] : memref<10x80x64xf32, #tpu.memory_space<vmem>> -> memref<1x80x64xf32, #tpu.memory_space<vmem>>
      %dma_wait3A_498 = tpu.memref_squeeze %dma_wait3A_497 : memref<1x80x64xf32, #tpu.memory_space<vmem>> -> memref<80x64xf32, #tpu.memory_space<vmem>>
      tpu.wait_dma2 semaphore(%arg8 : memref<!tpu.dma_semaphore, #tpu.memory_space<semaphore_mem>>) src(%dma_wait3A_498 : memref<80x64xf32, #tpu.memory_space<vmem>>) dst(%dma_wait3A_494 : memref<80x64xf32, #tpu.memory_space<hbm>>)
      %dma_wait3A_499 = arith.constant 4 : i32
      %dma_wait3A_500 = arith.constant 0 : i32
      %dma_wait3A_501 = arith.constant 0 : i32
      %dma_wait3A_502 = tpu.memref_slice %arg6[%dma_wait3A_499, %dma_wait3A_500, %dma_wait3A_501] : memref<10x80x64xf32, #tpu.memory_space<vmem>> -> memref<1x80x64xf32, #tpu.memory_space<vmem>>
      %dma_wait3A_503 = tpu.memref_squeeze %dma_wait3A_502 : memref<1x80x64xf32, #tpu.memory_space<vmem>> -> memref<80x64xf32, #tpu.memory_space<vmem>>
      %dma_wait3A_504 = arith.constant 0 : i32
      %dma_wait3A_505 = tpu.memref_slice %arg4[%add3A_288, %dma_wait3A_504] : memref<1280000x64xf32, #tpu.memory_space<hbm>> -> memref<80x64xf32, #tpu.memory_space<hbm>>
      %dma_wait3A_506 = arith.constant 0 : i32
      %dma_wait3A_507 = tpu.memref_slice %arg4[%add3A_288, %dma_wait3A_506] : memref<1280000x64xf32, #tpu.memory_space<hbm>> -> memref<80x64xf32, #tpu.memory_space<hbm>>
      %dma_wait3A_508 = arith.constant 0 : i32
      %dma_wait3A_509 = arith.constant 0 : i32
      %dma_wait3A_510 = tpu.memref_slice %arg6[%dma_wait3A_499, %dma_wait3A_508, %dma_wait3A_509] : memref<10x80x64xf32, #tpu.memory_space<vmem>> -> memref<1x80x64xf32, #tpu.memory_space<vmem>>
      %dma_wait3A_511 = tpu.memref_squeeze %dma_wait3A_510 : memref<1x80x64xf32, #tpu.memory_space<vmem>> -> memref<80x64xf32, #tpu.memory_space<vmem>>
      tpu.wait_dma2 semaphore(%arg8 : memref<!tpu.dma_semaphore, #tpu.memory_space<semaphore_mem>>) src(%dma_wait3A_511 : memref<80x64xf32, #tpu.memory_space<vmem>>) dst(%dma_wait3A_507 : memref<80x64xf32, #tpu.memory_space<hbm>>)
      %dma_wait3A_512 = arith.constant 5 : i32
      %dma_wait3A_513 = arith.constant 0 : i32
      %dma_wait3A_514 = arith.constant 0 : i32
      %dma_wait3A_515 = tpu.memref_slice %arg6[%dma_wait3A_512, %dma_wait3A_513, %dma_wait3A_514] : memref<10x80x64xf32, #tpu.memory_space<vmem>> -> memref<1x80x64xf32, #tpu.memory_space<vmem>>
      %dma_wait3A_516 = tpu.memref_squeeze %dma_wait3A_515 : memref<1x80x64xf32, #tpu.memory_space<vmem>> -> memref<80x64xf32, #tpu.memory_space<vmem>>
      %dma_wait3A_517 = arith.constant 0 : i32
      %dma_wait3A_518 = tpu.memref_slice %arg4[%add3A_317, %dma_wait3A_517] : memref<1280000x64xf32, #tpu.memory_space<hbm>> -> memref<80x64xf32, #tpu.memory_space<hbm>>
      %dma_wait3A_519 = arith.constant 0 : i32
      %dma_wait3A_520 = tpu.memref_slice %arg4[%add3A_317, %dma_wait3A_519] : memref<1280000x64xf32, #tpu.memory_space<hbm>> -> memref<80x64xf32, #tpu.memory_space<hbm>>
      %dma_wait3A_521 = arith.constant 0 : i32
      %dma_wait3A_522 = arith.constant 0 : i32
      %dma_wait3A_523 = tpu.memref_slice %arg6[%dma_wait3A_512, %dma_wait3A_521, %dma_wait3A_522] : memref<10x80x64xf32, #tpu.memory_space<vmem>> -> memref<1x80x64xf32, #tpu.memory_space<vmem>>
      %dma_wait3A_524 = tpu.memref_squeeze %dma_wait3A_523 : memref<1x80x64xf32, #tpu.memory_space<vmem>> -> memref<80x64xf32, #tpu.memory_space<vmem>>
      tpu.wait_dma2 semaphore(%arg8 : memref<!tpu.dma_semaphore, #tpu.memory_space<semaphore_mem>>) src(%dma_wait3A_524 : memref<80x64xf32, #tpu.memory_space<vmem>>) dst(%dma_wait3A_520 : memref<80x64xf32, #tpu.memory_space<hbm>>)
      %dma_wait3A_525 = arith.constant 6 : i32
      %dma_wait3A_526 = arith.constant 0 : i32
      %dma_wait3A_527 = arith.constant 0 : i32
      %dma_wait3A_528 = tpu.memref_slice %arg6[%dma_wait3A_525, %dma_wait3A_526, %dma_wait3A_527] : memref<10x80x64xf32, #tpu.memory_space<vmem>> -> memref<1x80x64xf32, #tpu.memory_space<vmem>>
      %dma_wait3A_529 = tpu.memref_squeeze %dma_wait3A_528 : memref<1x80x64xf32, #tpu.memory_space<vmem>> -> memref<80x64xf32, #tpu.memory_space<vmem>>
      %dma_wait3A_530 = arith.constant 0 : i32
      %dma_wait3A_531 = tpu.memref_slice %arg4[%add3A_346, %dma_wait3A_530] : memref<1280000x64xf32, #tpu.memory_space<hbm>> -> memref<80x64xf32, #tpu.memory_space<hbm>>
      %dma_wait3A_532 = arith.constant 0 : i32
      %dma_wait3A_533 = tpu.memref_slice %arg4[%add3A_346, %dma_wait3A_532] : memref<1280000x64xf32, #tpu.memory_space<hbm>> -> memref<80x64xf32, #tpu.memory_space<hbm>>
      %dma_wait3A_534 = arith.constant 0 : i32
      %dma_wait3A_535 = arith.constant 0 : i32
      %dma_wait3A_536 = tpu.memref_slice %arg6[%dma_wait3A_525, %dma_wait3A_534, %dma_wait3A_535] : memref<10x80x64xf32, #tpu.memory_space<vmem>> -> memref<1x80x64xf32, #tpu.memory_space<vmem>>
      %dma_wait3A_537 = tpu.memref_squeeze %dma_wait3A_536 : memref<1x80x64xf32, #tpu.memory_space<vmem>> -> memref<80x64xf32, #tpu.memory_space<vmem>>
      tpu.wait_dma2 semaphore(%arg8 : memref<!tpu.dma_semaphore, #tpu.memory_space<semaphore_mem>>) src(%dma_wait3A_537 : memref<80x64xf32, #tpu.memory_space<vmem>>) dst(%dma_wait3A_533 : memref<80x64xf32, #tpu.memory_space<hbm>>)
      %dma_wait3A_538 = arith.constant 7 : i32
      %dma_wait3A_539 = arith.constant 0 : i32
      %dma_wait3A_540 = arith.constant 0 : i32
      %dma_wait3A_541 = tpu.memref_slice %arg6[%dma_wait3A_538, %dma_wait3A_539, %dma_wait3A_540] : memref<10x80x64xf32, #tpu.memory_space<vmem>> -> memref<1x80x64xf32, #tpu.memory_space<vmem>>
      %dma_wait3A_542 = tpu.memref_squeeze %dma_wait3A_541 : memref<1x80x64xf32, #tpu.memory_space<vmem>> -> memref<80x64xf32, #tpu.memory_space<vmem>>
      %dma_wait3A_543 = arith.constant 0 : i32
      %dma_wait3A_544 = tpu.memref_slice %arg4[%add3A_375, %dma_wait3A_543] : memref<1280000x64xf32, #tpu.memory_space<hbm>> -> memref<80x64xf32, #tpu.memory_space<hbm>>
      %dma_wait3A_545 = arith.constant 0 : i32
      %dma_wait3A_546 = tpu.memref_slice %arg4[%add3A_375, %dma_wait3A_545] : memref<1280000x64xf32, #tpu.memory_space<hbm>> -> memref<80x64xf32, #tpu.memory_space<hbm>>
      %dma_wait3A_547 = arith.constant 0 : i32
      %dma_wait3A_548 = arith.constant 0 : i32
      %dma_wait3A_549 = tpu.memref_slice %arg6[%dma_wait3A_538, %dma_wait3A_547, %dma_wait3A_548] : memref<10x80x64xf32, #tpu.memory_space<vmem>> -> memref<1x80x64xf32, #tpu.memory_space<vmem>>
      %dma_wait3A_550 = tpu.memref_squeeze %dma_wait3A_549 : memref<1x80x64xf32, #tpu.memory_space<vmem>> -> memref<80x64xf32, #tpu.memory_space<vmem>>
      tpu.wait_dma2 semaphore(%arg8 : memref<!tpu.dma_semaphore, #tpu.memory_space<semaphore_mem>>) src(%dma_wait3A_550 : memref<80x64xf32, #tpu.memory_space<vmem>>) dst(%dma_wait3A_546 : memref<80x64xf32, #tpu.memory_space<hbm>>)
      %dma_wait3A_551 = arith.constant 8 : i32
      %dma_wait3A_552 = arith.constant 0 : i32
      %dma_wait3A_553 = arith.constant 0 : i32
      %dma_wait3A_554 = tpu.memref_slice %arg6[%dma_wait3A_551, %dma_wait3A_552, %dma_wait3A_553] : memref<10x80x64xf32, #tpu.memory_space<vmem>> -> memref<1x80x64xf32, #tpu.memory_space<vmem>>
      %dma_wait3A_555 = tpu.memref_squeeze %dma_wait3A_554 : memref<1x80x64xf32, #tpu.memory_space<vmem>> -> memref<80x64xf32, #tpu.memory_space<vmem>>
      %dma_wait3A_556 = arith.constant 0 : i32
      %dma_wait3A_557 = tpu.memref_slice %arg4[%add3A_404, %dma_wait3A_556] : memref<1280000x64xf32, #tpu.memory_space<hbm>> -> memref<80x64xf32, #tpu.memory_space<hbm>>
      %dma_wait3A_558 = arith.constant 0 : i32
      %dma_wait3A_559 = tpu.memref_slice %arg4[%add3A_404, %dma_wait3A_558] : memref<1280000x64xf32, #tpu.memory_space<hbm>> -> memref<80x64xf32, #tpu.memory_space<hbm>>
      %dma_wait3A_560 = arith.constant 0 : i32
      %dma_wait3A_561 = arith.constant 0 : i32
      %dma_wait3A_562 = tpu.memref_slice %arg6[%dma_wait3A_551, %dma_wait3A_560, %dma_wait3A_561] : memref<10x80x64xf32, #tpu.memory_space<vmem>> -> memref<1x80x64xf32, #tpu.memory_space<vmem>>
      %dma_wait3A_563 = tpu.memref_squeeze %dma_wait3A_562 : memref<1x80x64xf32, #tpu.memory_space<vmem>> -> memref<80x64xf32, #tpu.memory_space<vmem>>
      tpu.wait_dma2 semaphore(%arg8 : memref<!tpu.dma_semaphore, #tpu.memory_space<semaphore_mem>>) src(%dma_wait3A_563 : memref<80x64xf32, #tpu.memory_space<vmem>>) dst(%dma_wait3A_559 : memref<80x64xf32, #tpu.memory_space<hbm>>)
      %dma_wait3A_564 = arith.constant 9 : i32
      %dma_wait3A_565 = arith.constant 0 : i32
      %dma_wait3A_566 = arith.constant 0 : i32
      %dma_wait3A_567 = tpu.memref_slice %arg6[%dma_wait3A_564, %dma_wait3A_565, %dma_wait3A_566] : memref<10x80x64xf32, #tpu.memory_space<vmem>> -> memref<1x80x64xf32, #tpu.memory_space<vmem>>
      %dma_wait3A_568 = tpu.memref_squeeze %dma_wait3A_567 : memref<1x80x64xf32, #tpu.memory_space<vmem>> -> memref<80x64xf32, #tpu.memory_space<vmem>>
      %dma_wait3A_569 = arith.constant 0 : i32
      %dma_wait3A_570 = tpu.memref_slice %arg4[%add3A_433, %dma_wait3A_569] : memref<1280000x64xf32, #tpu.memory_space<hbm>> -> memref<80x64xf32, #tpu.memory_space<hbm>>
      %dma_wait3A_571 = arith.constant 0 : i32
      %dma_wait3A_572 = tpu.memref_slice %arg4[%add3A_433, %dma_wait3A_571] : memref<1280000x64xf32, #tpu.memory_space<hbm>> -> memref<80x64xf32, #tpu.memory_space<hbm>>
      %dma_wait3A_573 = arith.constant 0 : i32
      %dma_wait3A_574 = arith.constant 0 : i32
      %dma_wait3A_575 = tpu.memref_slice %arg6[%dma_wait3A_564, %dma_wait3A_573, %dma_wait3A_574] : memref<10x80x64xf32, #tpu.memory_space<vmem>> -> memref<1x80x64xf32, #tpu.memory_space<vmem>>
      %dma_wait3A_576 = tpu.memref_squeeze %dma_wait3A_575 : memref<1x80x64xf32, #tpu.memory_space<vmem>> -> memref<80x64xf32, #tpu.memory_space<vmem>>
      tpu.wait_dma2 semaphore(%arg8 : memref<!tpu.dma_semaphore, #tpu.memory_space<semaphore_mem>>) src(%dma_wait3A_576 : memref<80x64xf32, #tpu.memory_space<vmem>>) dst(%dma_wait3A_572 : memref<80x64xf32, #tpu.memory_space<hbm>>)
    }
    %scan3A_7 = arith.constant 50 : i32
    return
  }
}

module attributes {stable_mosaic.version = 14 : i64} {
  func.func @_rbf_body(%arg0: i32, %arg1: memref<1x5120xf32, #tpu.memory_space<vmem>>, %arg2: memref<48x1xf32, #tpu.memory_space<vmem>>, %arg3: memref<48x1xf32, #tpu.memory_space<vmem>>, %arg4: memref<2560x128xf32, #tpu.memory_space<vmem>>) attributes {dimension_semantics = [#tpu.dimension_semantics<arbitrary>], iteration_bounds = array<i64: 125>, scalar_prefetch = 0 : i64, scratch_operands = 0 : i64, tpu.core_type = #tpu.core_type<tc>, window_params = [{transform_indices = @transform_0, window_bounds = array<i64: 1, 5120>}, {pipeline_mode = #tpu.pipeline_mode<synchronous>, transform_indices = @transform_1, window_bounds = array<i64: 48, 1>}, {pipeline_mode = #tpu.pipeline_mode<synchronous>, transform_indices = @transform_2, window_bounds = array<i64: 48, 1>}, {transform_indices = @transform_3, window_bounds = array<i64: 2560, 128>}]} {
    %get3A = arith.constant 0 : index
    %get3A_0 = arith.constant 0 : index
    %get3A_1 = vector.load %arg1[%get3A, %get3A_0] : memref<1x5120xf32, #tpu.memory_space<vmem>>, vector<1x5120xf32>
    %get3A_2 = arith.constant 0 : index
    %get3A_3 = arith.constant 0 : index
    %get3A_4 = vector.load %arg2[%get3A_2, %get3A_3] : memref<48x1xf32, #tpu.memory_space<vmem>>, vector<48x1xf32>
    %get3A_5 = arith.constant 0 : index
    %get3A_6 = arith.constant 0 : index
    %get3A_7 = vector.load %arg3[%get3A_5, %get3A_6] : memref<48x1xf32, #tpu.memory_space<vmem>>, vector<48x1xf32>
    %iota3A = tpu.iota {dimensions = array<i32: 0>} : vector<48x1xi32>
    %jit3A = arith.constant 6 : i32
    %div3A = vector.broadcast %jit3A : i32 to vector<48x1xi32>
    %div3A_8 = arith.divsi %iota3A, %div3A : vector<48x1xi32>
    %sign3A = arith.constant 0 : i32
    %sign3A_9 = vector.broadcast %sign3A : i32 to vector<48x1xi32>
    %sign3A_10 = arith.cmpi sgt, %iota3A, %sign3A_9 : vector<48x1xi32>
    %sign3A_11 = arith.extui %sign3A_10 : vector<48x1xi1> to vector<48x1xi32>
    %sign3A_12 = arith.constant 0 : i32
    %sign3A_13 = vector.broadcast %sign3A_12 : i32 to vector<48x1xi32>
    %sign3A_14 = arith.cmpi slt, %iota3A, %sign3A_13 : vector<48x1xi32>
    %sign3A_15 = arith.extui %sign3A_14 : vector<48x1xi1> to vector<48x1xi32>
    %sign3A_16 = arith.subi %sign3A_11, %sign3A_15 : vector<48x1xi32>
    %sign3A_17 = arith.constant 0 : i32
    %sign3A_18 = arith.cmpi sgt, %jit3A, %sign3A_17 : i32
    %sign3A_19 = arith.extui %sign3A_18 : i1 to i32
    %sign3A_20 = arith.constant 0 : i32
    %sign3A_21 = arith.cmpi slt, %jit3A, %sign3A_20 : i32
    %sign3A_22 = arith.extui %sign3A_21 : i1 to i32
    %sign3A_23 = arith.subi %sign3A_19, %sign3A_22 : i32
    %ne3A = vector.broadcast %sign3A_23 : i32 to vector<48x1xi32>
    %ne3A_24 = arith.cmpi ne, %sign3A_16, %ne3A : vector<48x1xi32>
    %rem3A = vector.broadcast %jit3A : i32 to vector<48x1xi32>
    %rem3A_25 = arith.remsi %iota3A, %rem3A : vector<48x1xi32>
    %ne3A_26 = arith.constant 0 : i32
    %ne3A_27 = vector.broadcast %ne3A_26 : i32 to vector<48x1xi32>
    %ne3A_28 = arith.cmpi ne, %rem3A_25, %ne3A_27 : vector<48x1xi32>
    %and3A = arith.andi %ne3A_24, %ne3A_28 : vector<48x1xi1>
    %sub3A = arith.constant 1 : i32
    %sub3A_29 = vector.broadcast %sub3A : i32 to vector<48x1xi32>
    %sub3A_30 = arith.subi %div3A_8, %sub3A_29 : vector<48x1xi32>
    %select_n3A = arith.select %and3A, %sub3A_30, %div3A_8 : vector<48x1xi1>, vector<48x1xi32>
    %eq3A = arith.constant 0 : i32
    %eq3A_31 = vector.broadcast %eq3A : i32 to vector<48x1xi32>
    %eq3A_32 = arith.cmpi eq, %select_n3A, %eq3A_31 : vector<48x1xi32>
    %eq3A_33 = arith.constant 2 : i32
    %eq3A_34 = vector.broadcast %eq3A_33 : i32 to vector<48x1xi32>
    %eq3A_35 = arith.cmpi eq, %select_n3A, %eq3A_34 : vector<48x1xi32>
    %eq3A_36 = arith.constant 3 : i32
    %eq3A_37 = vector.broadcast %eq3A_36 : i32 to vector<48x1xi32>
    %eq3A_38 = arith.cmpi eq, %select_n3A, %eq3A_37 : vector<48x1xi32>
    %eq3A_39 = arith.constant 4 : i32
    %eq3A_40 = vector.broadcast %eq3A_39 : i32 to vector<48x1xi32>
    %eq3A_41 = arith.cmpi eq, %select_n3A, %eq3A_40 : vector<48x1xi32>
    %eq3A_42 = arith.constant 5 : i32
    %eq3A_43 = vector.broadcast %eq3A_42 : i32 to vector<48x1xi32>
    %eq3A_44 = arith.cmpi eq, %select_n3A, %eq3A_43 : vector<48x1xi32>
    %eq3A_45 = arith.constant 6 : i32
    %eq3A_46 = vector.broadcast %eq3A_45 : i32 to vector<48x1xi32>
    %eq3A_47 = arith.cmpi eq, %select_n3A, %eq3A_46 : vector<48x1xi32>
    %mul3A = arith.constant 2.000000e-01 : f32
    %mul3A_48 = vector.broadcast %mul3A : f32 to vector<1x5120xf32>
    %mul3A_49 = arith.mulf %get3A_1, %mul3A_48 : vector<1x5120xf32>
    %div3A_50 = arith.constant 1.000000e+00 : f32
    %div3A_51 = vector.broadcast %div3A_50 : f32 to vector<1x5120xf32>
    %div3A_52 = arith.divf %div3A_51, %mul3A_49 : vector<1x5120xf32>
    %integer_pow3A = arith.mulf %mul3A_49, %mul3A_49 : vector<1x5120xf32>
    %integer_pow3A_53 = arith.mulf %integer_pow3A, %integer_pow3A : vector<1x5120xf32>
    %integer_pow3A_54 = arith.mulf %mul3A_49, %integer_pow3A_53 : vector<1x5120xf32>
    %mul3A_55 = arith.constant -2.800000e+01 : f32
    %mul3A_56 = vector.broadcast %mul3A_55 : f32 to vector<1x5120xf32>
    %mul3A_57 = arith.mulf %mul3A_56, %integer_pow3A_54 : vector<1x5120xf32>
    %add3A = arith.addf %div3A_52, %mul3A_57 : vector<1x5120xf32>
    %integer_pow3A_58 = arith.mulf %mul3A_49, %mul3A_49 : vector<1x5120xf32>
    %integer_pow3A_59 = arith.mulf %integer_pow3A_58, %integer_pow3A_58 : vector<1x5120xf32>
    %integer_pow3A_60 = arith.mulf %integer_pow3A_58, %integer_pow3A_59 : vector<1x5120xf32>
    %mul3A_61 = arith.constant 4.800000e+01 : f32
    %mul3A_62 = vector.broadcast %mul3A_61 : f32 to vector<1x5120xf32>
    %mul3A_63 = arith.mulf %mul3A_62, %integer_pow3A_60 : vector<1x5120xf32>
    %add3A_64 = arith.addf %add3A, %mul3A_63 : vector<1x5120xf32>
    %integer_pow3A_65 = arith.mulf %mul3A_49, %mul3A_49 : vector<1x5120xf32>
    %integer_pow3A_66 = arith.mulf %mul3A_49, %integer_pow3A_65 : vector<1x5120xf32>
    %integer_pow3A_67 = arith.mulf %integer_pow3A_65, %integer_pow3A_65 : vector<1x5120xf32>
    %integer_pow3A_68 = arith.mulf %integer_pow3A_66, %integer_pow3A_67 : vector<1x5120xf32>
    %mul3A_69 = arith.constant -2.100000e+01 : f32
    %mul3A_70 = vector.broadcast %mul3A_69 : f32 to vector<1x5120xf32>
    %mul3A_71 = arith.mulf %mul3A_70, %integer_pow3A_68 : vector<1x5120xf32>
    %add3A_72 = arith.addf %add3A_64, %mul3A_71 : vector<1x5120xf32>
    %lt3A = arith.constant 1.000000e+00 : f32
    %lt3A_73 = vector.broadcast %lt3A : f32 to vector<1x5120xf32>
    %lt3A_74 = arith.cmpf olt, %mul3A_49, %lt3A_73 : vector<1x5120xf32>
    %broadcast_in_dim3A = arith.constant 0.000000e+00 : f32
    %broadcast_in_dim3A_75 = vector.broadcast %broadcast_in_dim3A : f32 to vector<1x5120xf32>
    %select_n3A_76 = arith.select %lt3A_74, %add3A_72, %broadcast_in_dim3A_75 : vector<1x5120xi1>, vector<1x5120xf32>
    %mul3A_77 = vector.broadcast %get3A_4 : vector<48x1xf32> to vector<48x5120xf32>
    %mul3A_78 = vector.broadcast %mul3A_49 : vector<1x5120xf32> to vector<48x5120xf32>
    %mul3A_79 = arith.mulf %mul3A_77, %mul3A_78 : vector<48x5120xf32>
    %sin3A = math.sin %mul3A_79 : vector<48x5120xf32>
    %cos3A = math.cos %mul3A_79 : vector<48x5120xf32>
    %div3A_80 = arith.constant 1.000000e+00 : f32
    %div3A_81 = vector.broadcast %div3A_80 : f32 to vector<48x5120xf32>
    %div3A_82 = arith.divf %div3A_81, %mul3A_79 : vector<48x5120xf32>
    %integer_pow3A_83 = arith.mulf %mul3A_79, %mul3A_79 : vector<48x5120xf32>
    %div3A_84 = arith.constant 1.000000e+00 : f32
    %div3A_85 = vector.broadcast %div3A_84 : f32 to vector<48x5120xf32>
    %div3A_86 = arith.divf %div3A_85, %integer_pow3A_83 : vector<48x5120xf32>
    %mul3A_87 = arith.mulf %sin3A, %div3A_82 : vector<48x5120xf32>
    %mul3A_88 = arith.mulf %sin3A, %div3A_86 : vector<48x5120xf32>
    %mul3A_89 = arith.mulf %cos3A, %div3A_82 : vector<48x5120xf32>
    %sub3A_90 = arith.subf %mul3A_88, %mul3A_89 : vector<48x5120xf32>
    %broadcast_in_dim3A_91 = vector.shape_cast %eq3A_32 : vector<48x1xi1> to vector<48x1xi1>
    %broadcast_in_dim3A_92 = vector.broadcast %broadcast_in_dim3A_91 : vector<48x1xi1> to vector<48x5120xi1>
    %select_n3A_93 = arith.select %broadcast_in_dim3A_92, %mul3A_87, %sub3A_90 : vector<48x5120xi1>, vector<48x5120xf32>
    %mul3A_94 = arith.constant 3.000000e+00 : f32
    %mul3A_95 = vector.broadcast %mul3A_94 : f32 to vector<48x5120xf32>
    %mul3A_96 = arith.mulf %mul3A_95, %div3A_82 : vector<48x5120xf32>
    %mul3A_97 = arith.mulf %mul3A_96, %sub3A_90 : vector<48x5120xf32>
    %sub3A_98 = arith.subf %mul3A_97, %mul3A_87 : vector<48x5120xf32>
    %broadcast_in_dim3A_99 = vector.shape_cast %eq3A_35 : vector<48x1xi1> to vector<48x1xi1>
    %broadcast_in_dim3A_100 = vector.broadcast %broadcast_in_dim3A_99 : vector<48x1xi1> to vector<48x5120xi1>
    %select_n3A_101 = arith.select %broadcast_in_dim3A_100, %sub3A_98, %select_n3A_93 : vector<48x5120xi1>, vector<48x5120xf32>
    %mul3A_102 = arith.constant 5.000000e+00 : f32
    %mul3A_103 = vector.broadcast %mul3A_102 : f32 to vector<48x5120xf32>
    %mul3A_104 = arith.mulf %mul3A_103, %div3A_82 : vector<48x5120xf32>
    %mul3A_105 = arith.mulf %mul3A_104, %sub3A_98 : vector<48x5120xf32>
    %sub3A_106 = arith.subf %mul3A_105, %sub3A_90 : vector<48x5120xf32>
    %broadcast_in_dim3A_107 = vector.shape_cast %eq3A_38 : vector<48x1xi1> to vector<48x1xi1>
    %broadcast_in_dim3A_108 = vector.broadcast %broadcast_in_dim3A_107 : vector<48x1xi1> to vector<48x5120xi1>
    %select_n3A_109 = arith.select %broadcast_in_dim3A_108, %sub3A_106, %select_n3A_101 : vector<48x5120xi1>, vector<48x5120xf32>
    %mul3A_110 = arith.constant 7.000000e+00 : f32
    %mul3A_111 = vector.broadcast %mul3A_110 : f32 to vector<48x5120xf32>
    %mul3A_112 = arith.mulf %mul3A_111, %div3A_82 : vector<48x5120xf32>
    %mul3A_113 = arith.mulf %mul3A_112, %sub3A_106 : vector<48x5120xf32>
    %sub3A_114 = arith.subf %mul3A_113, %sub3A_98 : vector<48x5120xf32>
    %broadcast_in_dim3A_115 = vector.shape_cast %eq3A_41 : vector<48x1xi1> to vector<48x1xi1>
    %broadcast_in_dim3A_116 = vector.broadcast %broadcast_in_dim3A_115 : vector<48x1xi1> to vector<48x5120xi1>
    %select_n3A_117 = arith.select %broadcast_in_dim3A_116, %sub3A_114, %select_n3A_109 : vector<48x5120xi1>, vector<48x5120xf32>
    %mul3A_118 = arith.constant 9.000000e+00 : f32
    %mul3A_119 = vector.broadcast %mul3A_118 : f32 to vector<48x5120xf32>
    %mul3A_120 = arith.mulf %mul3A_119, %div3A_82 : vector<48x5120xf32>
    %mul3A_121 = arith.mulf %mul3A_120, %sub3A_114 : vector<48x5120xf32>
    %sub3A_122 = arith.subf %mul3A_121, %sub3A_106 : vector<48x5120xf32>
    %broadcast_in_dim3A_123 = vector.shape_cast %eq3A_44 : vector<48x1xi1> to vector<48x1xi1>
    %broadcast_in_dim3A_124 = vector.broadcast %broadcast_in_dim3A_123 : vector<48x1xi1> to vector<48x5120xi1>
    %select_n3A_125 = arith.select %broadcast_in_dim3A_124, %sub3A_122, %select_n3A_117 : vector<48x5120xi1>, vector<48x5120xf32>
    %mul3A_126 = arith.constant 1.100000e+01 : f32
    %mul3A_127 = vector.broadcast %mul3A_126 : f32 to vector<48x5120xf32>
    %mul3A_128 = arith.mulf %mul3A_127, %div3A_82 : vector<48x5120xf32>
    %mul3A_129 = arith.mulf %mul3A_128, %sub3A_122 : vector<48x5120xf32>
    %sub3A_130 = arith.subf %mul3A_129, %sub3A_114 : vector<48x5120xf32>
    %broadcast_in_dim3A_131 = vector.shape_cast %eq3A_47 : vector<48x1xi1> to vector<48x1xi1>
    %broadcast_in_dim3A_132 = vector.broadcast %broadcast_in_dim3A_131 : vector<48x1xi1> to vector<48x5120xi1>
    %select_n3A_133 = arith.select %broadcast_in_dim3A_132, %sub3A_130, %select_n3A_125 : vector<48x5120xi1>, vector<48x5120xf32>
    %mul3A_134 = vector.broadcast %get3A_7 : vector<48x1xf32> to vector<48x5120xf32>
    %mul3A_135 = arith.mulf %select_n3A_133, %mul3A_134 : vector<48x5120xf32>
    %mul3A_136 = arith.constant 0.0894427224 : f32
    %mul3A_137 = vector.broadcast %mul3A_136 : f32 to vector<48x5120xf32>
    %mul3A_138 = arith.mulf %mul3A_135, %mul3A_137 : vector<48x5120xf32>
    %mul3A_139 = vector.broadcast %select_n3A_76 : vector<1x5120xf32> to vector<48x5120xf32>
    %mul3A_140 = arith.mulf %mul3A_139, %mul3A_138 : vector<48x5120xf32>
    %slice3A = vector.extract_strided_slice %mul3A_140 {offsets = [0, 0], sizes = [48, 2560], strides = [1, 1]} : vector<48x5120xf32> to vector<48x2560xf32>
    %transpose3A = tpu.transpose %slice3A, [1, 0] : vector<48x2560xf32> -> vector<2560x48xf32>
    %slice3A_141 = vector.extract_strided_slice %mul3A_140 {offsets = [0, 2560], sizes = [48, 2560], strides = [1, 1]} : vector<48x5120xf32> to vector<48x2560xf32>
    %transpose3A_142 = tpu.transpose %slice3A_141, [1, 0] : vector<48x2560xf32> -> vector<2560x48xf32>
    %broadcast_in_dim3A_143 = arith.constant 0.000000e+00 : f32
    %broadcast_in_dim3A_144 = vector.broadcast %broadcast_in_dim3A_143 : f32 to vector<2560x16xf32>
    %concatenate3A = tpu.concatenate %transpose3A, %broadcast_in_dim3A_144, %transpose3A_142, %broadcast_in_dim3A_144 in 1 : vector<2560x48xf32>, vector<2560x16xf32>, vector<2560x48xf32>, vector<2560x16xf32> -> vector<2560x128xf32>
    %swap3A = arith.constant 0 : index
    %swap3A_145 = arith.constant 0 : index
    %swap3A_146 = vector.load %arg4[%swap3A, %swap3A_145] : memref<2560x128xf32, #tpu.memory_space<vmem>>, vector<2560x128xf32>
    tpu.vector_store %arg4[%swap3A, %swap3A_145], %concatenate3A {strides = array<i32>} : memref<2560x128xf32, #tpu.memory_space<vmem>>, vector<2560x128xf32>,
    return
  }
  func.func @transform_0(%arg0: i32) -> (i32, i32) {
    %c0_i32 = arith.constant 0 : i32
    %c0_i32_0 = arith.constant 0 : i32
    return %c0_i32, %arg0 : i32, i32
  }
  func.func @transform_1(%arg0: i32) -> (i32, i32) {
    %c0_i32 = arith.constant 0 : i32
    %c0_i32_0 = arith.constant 0 : i32
    %c0_i32_1 = arith.constant 0 : i32
    return %c0_i32, %c0_i32_0 : i32, i32
  }
  func.func @transform_2(%arg0: i32) -> (i32, i32) {
    %c0_i32 = arith.constant 0 : i32
    %c0_i32_0 = arith.constant 0 : i32
    %c0_i32_1 = arith.constant 0 : i32
    return %c0_i32, %c0_i32_0 : i32, i32
  }
  func.func @transform_3(%arg0: i32) -> (i32, i32) {
    %c0_i32 = arith.constant 0 : i32
    %c0_i32_0 = arith.constant 0 : i32
    return %arg0, %c0_i32 : i32, i32
  }
}

module attributes {stable_mosaic.version = 14 : i64} {
  func.func @_mul_body(%arg0: i32, %arg1: memref<5120x128xf32, #tpu.memory_space<vmem>>, %arg2: memref<1x10240xf32, #tpu.memory_space<vmem>>, %arg3: memref<42x10240xf32, #tpu.memory_space<vmem>>) attributes {dimension_semantics = [#tpu.dimension_semantics<arbitrary>], iteration_bounds = array<i64: 125>, scalar_prefetch = 0 : i64, scratch_operands = 0 : i64, tpu.core_type = #tpu.core_type<tc>, window_params = [{transform_indices = @transform_0, window_bounds = array<i64: 5120, 128>}, {transform_indices = @transform_1, window_bounds = array<i64: 1, 10240>}, {transform_indices = @transform_2, window_bounds = array<i64: 42, 10240>}]} {
    %get3A = arith.constant 0 : index
    %get3A_0 = arith.constant 0 : index
    %get3A_1 = vector.load %arg1[%get3A, %get3A_0] : memref<5120x128xf32, #tpu.memory_space<vmem>>, vector<5120x128xf32>
    %get3A_2 = arith.constant 0 : index
    %get3A_3 = arith.constant 0 : index
    %get3A_4 = vector.load %arg2[%get3A_2, %get3A_3] : memref<1x10240xf32, #tpu.memory_space<vmem>>, vector<1x10240xf32>
    %iota3A = tpu.iota {dimensions = array<i32: 0>} : vector<64x1xi32>
    %jit3A = arith.constant 6 : i32
    %div3A = vector.broadcast %jit3A : i32 to vector<64x1xi32>
    %div3A_5 = arith.divsi %iota3A, %div3A : vector<64x1xi32>
    %sign3A = arith.constant 0 : i32
    %sign3A_6 = vector.broadcast %sign3A : i32 to vector<64x1xi32>
    %sign3A_7 = arith.cmpi sgt, %iota3A, %sign3A_6 : vector<64x1xi32>
    %sign3A_8 = arith.extui %sign3A_7 : vector<64x1xi1> to vector<64x1xi32>
    %sign3A_9 = arith.constant 0 : i32
    %sign3A_10 = vector.broadcast %sign3A_9 : i32 to vector<64x1xi32>
    %sign3A_11 = arith.cmpi slt, %iota3A, %sign3A_10 : vector<64x1xi32>
    %sign3A_12 = arith.extui %sign3A_11 : vector<64x1xi1> to vector<64x1xi32>
    %sign3A_13 = arith.subi %sign3A_8, %sign3A_12 : vector<64x1xi32>
    %sign3A_14 = arith.constant 0 : i32
    %sign3A_15 = arith.cmpi sgt, %jit3A, %sign3A_14 : i32
    %sign3A_16 = arith.extui %sign3A_15 : i1 to i32
    %sign3A_17 = arith.constant 0 : i32
    %sign3A_18 = arith.cmpi slt, %jit3A, %sign3A_17 : i32
    %sign3A_19 = arith.extui %sign3A_18 : i1 to i32
    %sign3A_20 = arith.subi %sign3A_16, %sign3A_19 : i32
    %ne3A = vector.broadcast %sign3A_20 : i32 to vector<64x1xi32>
    %ne3A_21 = arith.cmpi ne, %sign3A_13, %ne3A : vector<64x1xi32>
    %rem3A = vector.broadcast %jit3A : i32 to vector<64x1xi32>
    %rem3A_22 = arith.remsi %iota3A, %rem3A : vector<64x1xi32>
    %ne3A_23 = arith.constant 0 : i32
    %ne3A_24 = vector.broadcast %ne3A_23 : i32 to vector<64x1xi32>
    %ne3A_25 = arith.cmpi ne, %rem3A_22, %ne3A_24 : vector<64x1xi32>
    %and3A = arith.andi %ne3A_21, %ne3A_25 : vector<64x1xi1>
    %sub3A = arith.constant 1 : i32
    %sub3A_26 = vector.broadcast %sub3A : i32 to vector<64x1xi32>
    %sub3A_27 = arith.subi %div3A_5, %sub3A_26 : vector<64x1xi32>
    %select_n3A = arith.select %and3A, %sub3A_27, %div3A_5 : vector<64x1xi1>, vector<64x1xi32>
    %eq3A = arith.constant 0 : i32
    %eq3A_28 = vector.broadcast %eq3A : i32 to vector<64x1xi32>
    %eq3A_29 = arith.cmpi eq, %select_n3A, %eq3A_28 : vector<64x1xi32>
    %eq3A_30 = arith.constant 1 : i32
    %eq3A_31 = vector.broadcast %eq3A_30 : i32 to vector<64x1xi32>
    %eq3A_32 = arith.cmpi eq, %select_n3A, %eq3A_31 : vector<64x1xi32>
    %eq3A_33 = arith.constant 2 : i32
    %eq3A_34 = vector.broadcast %eq3A_33 : i32 to vector<64x1xi32>
    %eq3A_35 = arith.cmpi eq, %select_n3A, %eq3A_34 : vector<64x1xi32>
    %eq3A_36 = arith.constant 3 : i32
    %eq3A_37 = vector.broadcast %eq3A_36 : i32 to vector<64x1xi32>
    %eq3A_38 = arith.cmpi eq, %select_n3A, %eq3A_37 : vector<64x1xi32>
    %eq3A_39 = arith.constant 4 : i32
    %eq3A_40 = vector.broadcast %eq3A_39 : i32 to vector<64x1xi32>
    %eq3A_41 = arith.cmpi eq, %select_n3A, %eq3A_40 : vector<64x1xi32>
    %eq3A_42 = arith.constant 5 : i32
    %eq3A_43 = vector.broadcast %eq3A_42 : i32 to vector<64x1xi32>
    %eq3A_44 = arith.cmpi eq, %select_n3A, %eq3A_43 : vector<64x1xi32>
    %cos3A = math.cos %get3A_4 : vector<1x10240xf32>
    %broadcast_in_dim3A = arith.constant 1.000000e+00 : f32
    %broadcast_in_dim3A_45 = vector.broadcast %broadcast_in_dim3A : f32 to vector<1x10240xf32>
    %mul3A = arith.constant 3.000000e+00 : f32
    %mul3A_46 = vector.broadcast %mul3A : f32 to vector<1x10240xf32>
    %mul3A_47 = arith.mulf %mul3A_46, %cos3A : vector<1x10240xf32>
    %mul3A_48 = arith.mulf %mul3A_47, %cos3A : vector<1x10240xf32>
    %mul3A_49 = arith.constant 1.000000e+00 : f32
    %mul3A_50 = vector.broadcast %mul3A_49 : f32 to vector<1x10240xf32>
    %mul3A_51 = arith.mulf %mul3A_50, %broadcast_in_dim3A_45 : vector<1x10240xf32>
    %sub3A_52 = arith.subf %mul3A_48, %mul3A_51 : vector<1x10240xf32>
    %div3A_53 = arith.constant 2.000000e+00 : f32
    %div3A_54 = vector.broadcast %div3A_53 : f32 to vector<1x10240xf32>
    %div3A_55 = arith.divf %sub3A_52, %div3A_54 : vector<1x10240xf32>
    %mul3A_56 = arith.constant 5.000000e+00 : f32
    %mul3A_57 = vector.broadcast %mul3A_56 : f32 to vector<1x10240xf32>
    %mul3A_58 = arith.mulf %mul3A_57, %cos3A : vector<1x10240xf32>
    %mul3A_59 = arith.mulf %mul3A_58, %div3A_55 : vector<1x10240xf32>
    %mul3A_60 = arith.constant 2.000000e+00 : f32
    %mul3A_61 = vector.broadcast %mul3A_60 : f32 to vector<1x10240xf32>
    %mul3A_62 = arith.mulf %mul3A_61, %cos3A : vector<1x10240xf32>
    %sub3A_63 = arith.subf %mul3A_59, %mul3A_62 : vector<1x10240xf32>
    %div3A_64 = arith.constant 3.000000e+00 : f32
    %div3A_65 = vector.broadcast %div3A_64 : f32 to vector<1x10240xf32>
    %div3A_66 = arith.divf %sub3A_63, %div3A_65 : vector<1x10240xf32>
    %mul3A_67 = arith.constant 7.000000e+00 : f32
    %mul3A_68 = vector.broadcast %mul3A_67 : f32 to vector<1x10240xf32>
    %mul3A_69 = arith.mulf %mul3A_68, %cos3A : vector<1x10240xf32>
    %mul3A_70 = arith.mulf %mul3A_69, %div3A_66 : vector<1x10240xf32>
    %mul3A_71 = arith.constant 3.000000e+00 : f32
    %mul3A_72 = vector.broadcast %mul3A_71 : f32 to vector<1x10240xf32>
    %mul3A_73 = arith.mulf %mul3A_72, %div3A_55 : vector<1x10240xf32>
    %sub3A_74 = arith.subf %mul3A_70, %mul3A_73 : vector<1x10240xf32>
    %div3A_75 = arith.constant 4.000000e+00 : f32
    %div3A_76 = vector.broadcast %div3A_75 : f32 to vector<1x10240xf32>
    %div3A_77 = arith.divf %sub3A_74, %div3A_76 : vector<1x10240xf32>
    %mul3A_78 = arith.constant 9.000000e+00 : f32
    %mul3A_79 = vector.broadcast %mul3A_78 : f32 to vector<1x10240xf32>
    %mul3A_80 = arith.mulf %mul3A_79, %cos3A : vector<1x10240xf32>
    %mul3A_81 = arith.mulf %mul3A_80, %div3A_77 : vector<1x10240xf32>
    %mul3A_82 = arith.constant 4.000000e+00 : f32
    %mul3A_83 = vector.broadcast %mul3A_82 : f32 to vector<1x10240xf32>
    %mul3A_84 = arith.mulf %mul3A_83, %div3A_66 : vector<1x10240xf32>
    %sub3A_85 = arith.subf %mul3A_81, %mul3A_84 : vector<1x10240xf32>
    %div3A_86 = arith.constant 5.000000e+00 : f32
    %div3A_87 = vector.broadcast %div3A_86 : f32 to vector<1x10240xf32>
    %div3A_88 = arith.divf %sub3A_85, %div3A_87 : vector<1x10240xf32>
    %mul3A_89 = arith.constant 1.100000e+01 : f32
    %mul3A_90 = vector.broadcast %mul3A_89 : f32 to vector<1x10240xf32>
    %mul3A_91 = arith.mulf %mul3A_90, %cos3A : vector<1x10240xf32>
    %mul3A_92 = arith.mulf %mul3A_91, %div3A_88 : vector<1x10240xf32>
    %mul3A_93 = arith.constant 5.000000e+00 : f32
    %mul3A_94 = vector.broadcast %mul3A_93 : f32 to vector<1x10240xf32>
    %mul3A_95 = arith.mulf %mul3A_94, %div3A_77 : vector<1x10240xf32>
    %sub3A_96 = arith.subf %mul3A_92, %mul3A_95 : vector<1x10240xf32>
    %div3A_97 = arith.constant 6.000000e+00 : f32
    %div3A_98 = vector.broadcast %div3A_97 : f32 to vector<1x10240xf32>
    %div3A_99 = arith.divf %sub3A_96, %div3A_98 : vector<1x10240xf32>
    %mul3A_100 = arith.constant 0.282094806 : f32
    %mul3A_101 = vector.broadcast %mul3A_100 : f32 to vector<1x10240xf32>
    %mul3A_102 = arith.mulf %mul3A_101, %broadcast_in_dim3A_45 : vector<1x10240xf32>
    %mul3A_103 = arith.constant 0.488602519 : f32
    %mul3A_104 = vector.broadcast %mul3A_103 : f32 to vector<1x10240xf32>
    %mul3A_105 = arith.mulf %mul3A_104, %cos3A : vector<1x10240xf32>
    %mul3A_106 = arith.constant 0.63078314 : f32
    %mul3A_107 = vector.broadcast %mul3A_106 : f32 to vector<1x10240xf32>
    %mul3A_108 = arith.mulf %mul3A_107, %div3A_55 : vector<1x10240xf32>
    %mul3A_109 = arith.constant 0.746352672 : f32
    %mul3A_110 = vector.broadcast %mul3A_109 : f32 to vector<1x10240xf32>
    %mul3A_111 = arith.mulf %mul3A_110, %div3A_66 : vector<1x10240xf32>
    %mul3A_112 = arith.constant 0.846284389 : f32
    %mul3A_113 = vector.broadcast %mul3A_112 : f32 to vector<1x10240xf32>
    %mul3A_114 = arith.mulf %mul3A_113, %div3A_77 : vector<1x10240xf32>
    %mul3A_115 = arith.constant 0.935602605 : f32
    %mul3A_116 = vector.broadcast %mul3A_115 : f32 to vector<1x10240xf32>
    %mul3A_117 = arith.mulf %mul3A_116, %div3A_88 : vector<1x10240xf32>
    %mul3A_118 = arith.constant 1.01710725 : f32
    %mul3A_119 = vector.broadcast %mul3A_118 : f32 to vector<1x10240xf32>
    %mul3A_120 = arith.mulf %mul3A_119, %div3A_99 : vector<1x10240xf32>
    %broadcast_in_dim3A_121 = vector.shape_cast %mul3A_120 : vector<1x10240xf32> to vector<1x10240xf32>
    %broadcast_in_dim3A_122 = vector.broadcast %broadcast_in_dim3A_121 : vector<1x10240xf32> to vector<64x10240xf32>
    %broadcast_in_dim3A_123 = vector.shape_cast %eq3A_44 : vector<64x1xi1> to vector<64x1xi1>
    %broadcast_in_dim3A_124 = vector.broadcast %broadcast_in_dim3A_123 : vector<64x1xi1> to vector<64x10240xi1>
    %broadcast_in_dim3A_125 = vector.shape_cast %mul3A_117 : vector<1x10240xf32> to vector<1x10240xf32>
    %broadcast_in_dim3A_126 = vector.broadcast %broadcast_in_dim3A_125 : vector<1x10240xf32> to vector<64x10240xf32>
    %select_n3A_127 = arith.select %broadcast_in_dim3A_124, %broadcast_in_dim3A_126, %broadcast_in_dim3A_122 : vector<64x10240xi1>, vector<64x10240xf32>
    %broadcast_in_dim3A_128 = vector.shape_cast %eq3A_41 : vector<64x1xi1> to vector<64x1xi1>
    %broadcast_in_dim3A_129 = vector.broadcast %broadcast_in_dim3A_128 : vector<64x1xi1> to vector<64x10240xi1>
    %broadcast_in_dim3A_130 = vector.shape_cast %mul3A_114 : vector<1x10240xf32> to vector<1x10240xf32>
    %broadcast_in_dim3A_131 = vector.broadcast %broadcast_in_dim3A_130 : vector<1x10240xf32> to vector<64x10240xf32>
    %select_n3A_132 = arith.select %broadcast_in_dim3A_129, %broadcast_in_dim3A_131, %select_n3A_127 : vector<64x10240xi1>, vector<64x10240xf32>
    %broadcast_in_dim3A_133 = vector.shape_cast %eq3A_38 : vector<64x1xi1> to vector<64x1xi1>
    %broadcast_in_dim3A_134 = vector.broadcast %broadcast_in_dim3A_133 : vector<64x1xi1> to vector<64x10240xi1>
    %broadcast_in_dim3A_135 = vector.shape_cast %mul3A_111 : vector<1x10240xf32> to vector<1x10240xf32>
    %broadcast_in_dim3A_136 = vector.broadcast %broadcast_in_dim3A_135 : vector<1x10240xf32> to vector<64x10240xf32>
    %select_n3A_137 = arith.select %broadcast_in_dim3A_134, %broadcast_in_dim3A_136, %select_n3A_132 : vector<64x10240xi1>, vector<64x10240xf32>
    %broadcast_in_dim3A_138 = vector.shape_cast %eq3A_35 : vector<64x1xi1> to vector<64x1xi1>
    %broadcast_in_dim3A_139 = vector.broadcast %broadcast_in_dim3A_138 : vector<64x1xi1> to vector<64x10240xi1>
    %broadcast_in_dim3A_140 = vector.shape_cast %mul3A_108 : vector<1x10240xf32> to vector<1x10240xf32>
    %broadcast_in_dim3A_141 = vector.broadcast %broadcast_in_dim3A_140 : vector<1x10240xf32> to vector<64x10240xf32>
    %select_n3A_142 = arith.select %broadcast_in_dim3A_139, %broadcast_in_dim3A_141, %select_n3A_137 : vector<64x10240xi1>, vector<64x10240xf32>
    %broadcast_in_dim3A_143 = vector.shape_cast %eq3A_32 : vector<64x1xi1> to vector<64x1xi1>
    %broadcast_in_dim3A_144 = vector.broadcast %broadcast_in_dim3A_143 : vector<64x1xi1> to vector<64x10240xi1>
    %broadcast_in_dim3A_145 = vector.shape_cast %mul3A_105 : vector<1x10240xf32> to vector<1x10240xf32>
    %broadcast_in_dim3A_146 = vector.broadcast %broadcast_in_dim3A_145 : vector<1x10240xf32> to vector<64x10240xf32>
    %select_n3A_147 = arith.select %broadcast_in_dim3A_144, %broadcast_in_dim3A_146, %select_n3A_142 : vector<64x10240xi1>, vector<64x10240xf32>
    %broadcast_in_dim3A_148 = vector.shape_cast %eq3A_29 : vector<64x1xi1> to vector<64x1xi1>
    %broadcast_in_dim3A_149 = vector.broadcast %broadcast_in_dim3A_148 : vector<64x1xi1> to vector<64x10240xi1>
    %broadcast_in_dim3A_150 = vector.shape_cast %mul3A_102 : vector<1x10240xf32> to vector<1x10240xf32>
    %broadcast_in_dim3A_151 = vector.broadcast %broadcast_in_dim3A_150 : vector<1x10240xf32> to vector<64x10240xf32>
    %select_n3A_152 = arith.select %broadcast_in_dim3A_149, %broadcast_in_dim3A_151, %select_n3A_147 : vector<64x10240xi1>, vector<64x10240xf32>
    %slice3A = vector.extract_strided_slice %get3A_1 {offsets = [0, 0], sizes = [5120, 64], strides = [1, 1]} : vector<5120x128xf32> to vector<5120x64xf32>
    %transpose3A = tpu.transpose %slice3A, [1, 0] : vector<5120x64xf32> -> vector<64x5120xf32>
    %slice3A_153 = vector.extract_strided_slice %get3A_1 {offsets = [0, 64], sizes = [5120, 64], strides = [1, 1]} : vector<5120x128xf32> to vector<5120x64xf32>
    %transpose3A_154 = tpu.transpose %slice3A_153, [1, 0] : vector<5120x64xf32> -> vector<64x5120xf32>
    %concatenate3A = tpu.concatenate %transpose3A, %transpose3A_154 in 1 : vector<64x5120xf32>, vector<64x5120xf32> -> vector<64x10240xf32>
    %mul3A_155 = arith.mulf %concatenate3A, %select_n3A_152 : vector<64x10240xf32>
    %slice3A_156 = vector.extract_strided_slice %mul3A_155 {offsets = [0, 0], sizes = [42, 10240], strides = [1, 1]} : vector<64x10240xf32> to vector<42x10240xf32>
    %swap3A = arith.constant 0 : index
    %swap3A_157 = arith.constant 0 : index
    %swap3A_158 = vector.load %arg3[%swap3A, %swap3A_157] : memref<42x10240xf32, #tpu.memory_space<vmem>>, vector<42x10240xf32>
    tpu.vector_store %arg3[%swap3A, %swap3A_157], %slice3A_156 {strides = array<i32>} : memref<42x10240xf32, #tpu.memory_space<vmem>>, vector<42x10240xf32>,
    return
  }
  func.func @transform_0(%arg0: i32) -> (i32, i32) {
    %c0_i32 = arith.constant 0 : i32
    %c0_i32_0 = arith.constant 0 : i32
    return %arg0, %c0_i32 : i32, i32
  }
  func.func @transform_1(%arg0: i32) -> (i32, i32) {
    %c0_i32 = arith.constant 0 : i32
    %c0_i32_0 = arith.constant 0 : i32
    return %c0_i32, %arg0 : i32, i32
  }
  func.func @transform_2(%arg0: i32) -> (i32, i32) {
    %c0_i32 = arith.constant 0 : i32
    %c0_i32_0 = arith.constant 0 : i32
    return %c0_i32, %arg0 : i32, i32
  }
}

</mosaic_0001>

<sc_bundles>
// kernel: kernel.6.cloned.1.call-start
scs
__scs_entry_jumppad:
0x0: {  	(pc) =	sbr.rel $0x88, $3  }
0x1: {  	(tag) =	ssettag $0x0;
	lr =	simm.s32 $0x1  }
0x2: {  	[smem:$0x3F9E] =	sst lr;
	_ =	strace $0xD0000000  }
0x3: {  	_ = 	snop  }
0x4: {  	_ = 	snop  }
0x5: {  	_ = 	snop  }
0x6: {  	_ = 	snop  }
0x7: {  	_ = 	snop  }
__scs_overlays_trampoline_lowered:
0x8: {  	[smem:$0x3FAD] =	sst s0  }
0x9: {  	[smem:$0x3FAE] =	sst s1  }
0xa: {  	[smem:$0x3FAF] =	sst s2  }
0xb: {  	[smem:$0x3FB0] =	sst s3  }
0xc: {  	[smem:$0x3FB1] =	sst s4  }
0xd: {  	[smem:$0x3FB2] =	sst s5  }
0xe: {  	[smem:$0x3FB3] =	sst s6  }
0xf: {  	[smem:$0x3FB4] =	sst s7  }
0x10: {  	[smem:$0x3FB5] =	sst s8  }
0x11: {  	[smem:$0x3FB6] =	sst s9;
	s0 =	simm.s32 @!p0 $0x0  }
0x12: {  	s1 =	sld [smem:$0x3F9C];
	s0 =	simm.s32 @p0 $0x1  }
0x13: {  	[smem:$0x3FB7] =	sst s0;
	s0 =	simm.s32 @!p1 $0x0  }
0x14: {  	s2 =	sld [smem:$0x3F9B];
	s0 =	simm.s32 @p1 $0x1  }
0x15: {  	[smem:$0x3FB8] =	sst s0;
	s0 =	simm.s32 @!p2 $0x0  }
0x16: {  	s3 =	sld [smem:$0x3FDB];
	s0 =	simm.s32 @p2 $0x1  }
0x17: {  	s4 =	simm.s32 $0x1BF5;
	[smem:$0x3FBA] =	sst s0  }
0x18: {  	s0 =	sld [smem:$0x3F9D];
	_ =	swait.ge [sflag:s4], $0x0  }
0x19: {  	s7 =	sld [smem:$0x3F9E]  }
0x1a: {  	s8 =	sadd.s32 $0xFFFFE003, lr  }
0x1b: {  	s9 =	sadd.s32 $0xFFFFFEF7, lr;
	s5 =	simm.s32 $0xFFFFFFFF;
	p2 =	slt.u32 s8, $0xFFFFF086  }
0x1c: {  	p1 =	slt.u32 s9, $0xF7A;
	s5 =	simm.s32 @!p2 $0x0  }
0x1d: {  	s5 =	simm.s32 @p1 $0x1;
	p0 =	seq.s32 s7, s2  }
0x1e: {  	s7 =	smul.u32 @!p0 $0xF7A, s2;
	p2 =	seq.s32 @!p0 s5, $0x0  }
0x1f: {  	s9 =	smul.u32 $0xF7A, s1;
	s8 =	simm.s32 @!p0 $0x1BF5;
	p2 =	por !p2, p0  }
0x20: {  	[sflag:s8] =	ssyncset.s32 @!p0 $0xFFFFF086;
	s6 =	sadd.s32 @!p0 s3, s7;
	s7 =	simm.s32 @!p0 $0x108  }
0x21: {  	s3 =	sadd.s32 s3, s9;
	s6 =	sadd.s32 @!p0 $0x88, s6;
	s7 =	simm.s32 @p2 $0x1082  }
0x22: {  	[simem:s7], [sflag:s8] =	dma.local @!p0 [hbm:s6], $0xF7A  }
0x23: {  	s9 =	sor.u32 $0xD0000000, s2;
	s6 =	simm.s32 $0x108;
	_ =	swait.ge @!p0 [sflag:s8], $0x0  }
0x24: {  	s3 =	sadd.s32 $0x88, s3;
	s6 =	simm.s32 @!p1 $0x1082;
	[sflag:s4] =	ssyncset.s32 $0xFFFFF086  }
0x25: {  	[simem:s6], [sflag:s4] =	dma.local [hbm:s3], $0xF7A  }
0x26: {  	[smem:$0x3F9E] =	sst s1;
	(tag) =	ssettag s2;
	_ =	strace s9  }
0x27: {  	s1 =	sld [smem:$0x3FAE]  }
0x28: {  	s2 =	sld [smem:$0x3FAF]  }
0x29: {  	s4 =	sld [smem:$0x3FB1]  }
0x2a: {  	p0 =	seq.s32 s5, $0x0;
	s5 =	sld [smem:$0x3FB2]  }
0x2b: {  	s6 =	sld [smem:$0x3FB3]  }
0x2c: {  	s7 =	sld [smem:$0x3FB4]  }
0x2d: {  	s3 =	simm.s32 $0x108;
	s8 =	sld [smem:$0x3FB5]  }
0x2e: {  	s3 =	simm.s32 @!p0 $0x1082;
	s9 =	sld [smem:$0x3FB6]  }
0x2f: {  	lr =	sadd.s32 s0, s3;
	s0 =	sld [smem:$0x3FAD]  }
0x30: {  	s3 =	sld [smem:$0x3FB0]  }
0x31: {  	[smem:$0x3FB9] =	sst s10  }
0x32: {  	s10 =	sld [smem:$0x3FB7];
	_ =	sdelay $0x3  }
0x33: {  	p0 =	seq.s32 s10, $0x1;
	s10 =	sld [smem:$0x3FB9];
	_ =	sdelay $0x3  }
0x34: {  	[smem:$0x3FB9] =	sst s10  }
0x35: {  	s10 =	sld [smem:$0x3FB8];
	_ =	sdelay $0x3  }
0x36: {  	p1 =	seq.s32 s10, $0x1;
	s10 =	sld [smem:$0x3FB9];
	_ =	sdelay $0x3  }
0x37: {  	[smem:$0x3FB9] =	sst s10  }
0x38: {  	s10 =	sld [smem:$0x3FBA]  }
0x39: {  	_ = 	snop;
	(pc) =	sbr.ind lr, $3  }
0x3a: {  	_ = 	snop  }
0x3b: {  	_ = 	snop  }
0x3c: {  	p2 =	seq.s32 s10, $0x1;
	s10 =	sld [smem:$0x3FB9]  }
0x3d: {  	_ =	shalt  }
0x3e: {  	_ =	shalt  }
0x3f: {  	_ =	shalt  }
0x40: {  	_ =	shalt  }
0x41: {  	_ =	shalt  }
0x42: {  	_ =	shalt  }
0x43: {  	_ =	shalt  }
0x44: {  	_ =	shalt  }
0x45: {  	_ =	shalt  }
0x46: {  	_ =	shalt  }
0x47: {  	_ =	shalt  }
0x48: {  	_ =	shalt  }
0x49: {  	_ =	shalt  }
0x4a: {  	_ =	shalt  }
0x4b: {  	_ =	shalt  }
0x4c: {  	_ =	shalt  }
0x4d: {  	_ =	shalt  }
0x4e: {  	_ =	shalt  }
0x4f: {  	_ =	shalt  }
0x50: {  	_ =	shalt  }
0x51: {  	_ =	shalt  }
0x52: {  	_ =	shalt  }
0x53: {  	_ =	shalt  }
0x54: {  	_ =	shalt  }
0x55: {  	_ =	shalt  }
0x56: {  	_ =	shalt  }
0x57: {  	_ =	shalt  }
0x58: {  	_ =	shalt  }
0x59: {  	_ =	shalt  }
0x5a: {  	_ =	shalt  }
0x5b: {  	_ =	shalt  }
0x5c: {  	_ =	shalt  }
0x5d: {  	_ =	shalt  }
0x5e: {  	_ =	shalt  }
0x5f: {  	_ =	shalt  }
0x60: {  	_ =	shalt  }
0x61: {  	_ =	shalt  }
0x62: {  	_ =	shalt  }
0x63: {  	_ =	shalt  }
0x64: {  	_ =	shalt  }
0x65: {  	_ =	shalt  }
0x66: {  	_ =	shalt  }
0x67: {  	_ =	shalt  }
0x68: {  	_ =	shalt  }
0x69: {  	_ =	shalt  }
0x6a: {  	_ =	shalt  }
0x6b: {  	_ =	shalt  }
0x6c: {  	_ =	shalt  }
0x6d: {  	_ =	shalt  }
0x6e: {  	_ =	shalt  }
0x6f: {  	_ =	shalt  }
0x70: {  	_ =	shalt  }
0x71: {  	_ =	shalt  }
0x72: {  	_ =	shalt  }
0x73: {  	_ =	shalt  }
0x74: {  	_ =	shalt  }
0x75: {  	_ =	shalt  }
0x76: {  	_ =	shalt  }
0x77: {  	_ =	shalt  }
0x78: {  	_ =	shalt  }
0x79: {  	_ =	shalt  }
0x7a: {  	_ =	shalt  }
0x7b: {  	_ =	shalt  }
0x7c: {  	_ =	shalt  }
0x7d: {  	_ =	shalt  }
0x7e: {  	_ =	shalt  }
0x7f: {  	_ =	shalt  }
0x80: {  	_ =	shalt  }
0x81: {  	_ =	shalt  }
0x82: {  	_ =	shalt  }
0x83: {  	_ =	shalt  }
0x84: {  	_ =	shalt  }
0x85: {  	_ =	shalt  }
0x86: {  	_ =	shalt  }
0x87: {  	_ =	shalt  }
.Lfunc_end0:
.L_simem_size_0:
called_computation_lowered:
.L_overlay_start_0:
0x88: {  	s2 =	sld [smem:$0x3FD9]  }
0x89: {  	s3 =	sld [smem:$0x3FFE];
	_ =	sdelay $0x1  }
0x8a: {  	s1 =	srdreg.scid  }
0x8b: {  	s0 =	sand.u32 $0x1, s1  }
0x8c: {  	s16 =	sshll.u32 s0, $0xA;
	s2 =	sadd.s32 s3, s2  }
0x8d: {  	s2 =	sadd.s32 s2, s16  }
0x8e: {  	[smem:$0x3FC5] =	sst s2  }
0x8f: {  	_ = 	snop  }
0x90: {  	(tm) =	ssettm $0x1  }
0x91: {  	s17 =	sld [smem:$0x3FFB];
	_ =	sdelay $0x3  }
0x92: {  	_ =	strace s17  }
0x93: {  	s2 =	sld [smem:$0x3FFC];
	_ =	sdelay $0x3  }
0x94: {  	_ =	strace s2  }
0x95: {  	s2 =	sld [smem:$0x3FFD];
	_ =	sdelay $0x3  }
0x96: {  	_ =	strace s2  }
0x97: {  	_ =	strace $0x8FFFFFFF  }
0x98: {  	s18 =	sld [smem:$0x3FDB];
	_ =	sdelay $0x1  }
0x99: {  	s19 =	simm.s32 $_scs_section_size  }
0x9a: {  	s4 =	simm.s32 $_size__tile_overlayer_lowered;
	s5 =	simm.s32 $_tile_overlayer_lowered  }
0x9b: {  	s22 =	simm.s32 $0x1BFF;
	s21 =	sshll.u32 s5, $0x1;
	s2 =	sadd.s32 s19, s18  }
0x9c: {  	s6 =	simm.s32 $0x0;
	s20 =	sshll.u32 s4, $0x1;
	s4 =	sadd.s32 s21, s2  }
0x9d: {  	[timem:s6], [sflag:s22] =	dma.local [hbm:s4], s20  }
0x9e: {  	_ =	swait.ge [sflag:s22], s20  }
0x9f: {  	s3 =	ssub.s32 $0x0, s20;
	[sflag:s22] =	ssyncset.done $0x0  }
0xa0: {  	[sflag:s22] =	ssyncadd.s32 s3;
	_ =	sdelay $0x1  }
0xa1: {  	s23 =	simm.s32 $0x1B8B  }
0xa2: {  	_ =	swait.ge [sflag:s23], $0x1  }
0xa3: {  	[sflag:s23] =	ssyncset.done $0x0  }
0xa4: {  	s25 =	simm.s32 $0x1B8E;
	s24 =	sld [smem:$0x3FFE];
	[sflag:s23] =	ssyncadd.s32 $0xFFFFFFFF  }
0xa5: {  	s26 =	simm.s32 $execute0_lowered;
	[smem:$0x3FD2] =	sst s25  }
0xa6: {  	s4 =	sshll.u32 s26, $0x1;
	_ =	strace $0x80000046;
	[dreg:$0x1] =	wrdreg $0xFFFFFFFF  }
0xa7: {  	s28 =	simm.s32 $_size_execute0_lowered;
	s2 =	sadd.s32 s2, s4;
	[dreg:$0x0] =	wrdreg $0x0  }
0xa8: {  	s4 =	sshll.u32 s28, $0x1;
	[dreg:$0x2] =	wrdreg s2  }
0xa9: {  	[dreg:$0x3] =	wrdreg s4  }
0xaa: {  	[dreg:$0x4] =	wrdreg $0xC0  }
0xab: {  	_ =	task [dreg:s6], $0x5FFFF  }
0xac: {  	[dreg:$0x1] =	wrdreg $0xFFFFFFFF  }
0xad: {  	[dreg:$0x0] =	wrdreg $0x60  }
0xae: {  	[dreg:$0x2] =	wrdreg s24  }
0xaf: {  	[dreg:$0x3] =	wrdreg $0x9  }
0xb0: {  	_ =	task.clear_ibuf [dreg:s6], $0x4FFFF;
	_ =	strace $0x90000046  }
0xb1: {  	s29 =	simm.s32 $0x9;
	_ =	strace $0x80000048  }
0xb2: {  	_ =	swait.ge [sflag:s29], $0x1  }
0xb3: {  	[sflag:s29] =	ssyncadd.s32 $0xFFFFFFFF  }
0xb4: {  	_ =	strace $0x90000048  }
0xb5: {  	_ =	sfence  }
0xb6: {  	s30 =	sld [smem:$0x0];
	_ =	sdelay $0x2  }
0xb7: {  	s31 =	sshll.u32 s1, $0xD;
	s1 =	sshrl.u32 s1, $0x2  }
0xb8: {  	s3 =	sand.u32 $0x4000, s31;
	s1 =	sadd.s32 s1, s30  }
0xb9: {  	s0 =	sor.u32 s3, s0;
	s1 =	sshll.u32 s1, $0x11  }
0xba: {  	s0 =	sor.u32 s1, s0  }
0xbb: {  	s0 =	sadd.s32 $0x8F2B, s0  }
0xbc: {  	[sflag:s0] =	ssyncadd.remote.s32 $0x1  }
0xbd: {  	_ =	sfence.sel $0xFFFF  }
0xbe: {  	[dreg:$0x0] =	wrdreg $0xFFFFFFFF;
	(pc) =	sbr.abs _section_cstart, $3  }
0xbf: {  	[dreg:$0x1] =	wrdreg $0xFFFFFFFF  }
0xc0: {  	_ =	task.clear_ibuf [dreg:s6], $0x2FFFF;
	_ =	strace $0x9FFFFFFF  }
0xc1: {  	(tm) =	ssettm $0x7FFFFFFF  }
tec
execute0_lowered:
.L_overlay_start_1:
0x0: {  	(tag) =	ssettag $0x1  }
0x1: {  	s1 =	srdreg.scid;
	s0 =	stileid.u32  }
0x2: {  	s4 =	sand.u32 $0x1, s1;
	s30 =	sshll.u32 s0, $0x1  }
0x3: {  	s1 =	sor.u32 s4, s30  }
0x4: {  	s5 =	smul.u32 $0x9C40, s1;
	_ =	sdelay $0x1  }
0x5: {  	s1 =	sshrl.u32 s5, $0xB  }
0x6: {  	s1 =	smul.u32 $0x3334, s1  }
0x7: {  	s6 =	rddreg [dreg:$0x0];
	s2 =	simm.s32 $0x0;
	s9 =	smul.u32 $0x13880, s0  }
0x8: {  	s8 =	ssub.s32 $0x2, s4;
	s11 =	smul.u32 $0x9C40, s4;
	s1 =	sshrl.u32 s1, $0x10  }
0x9: {  	[smem:$0x7FF] =	sst s2;
	s10 =	sshrl.u32 s8, $0x1;
	s3 =	smul.u32 $0x2800, s1  }
0xa: {  	v0 =	vlaneseq.u32;
	s31 =	ssub.s32 s8, s10;
	s8 =	simm.s32 $0x1;
	s5 =	sshrl.u32 s5, $0x3  }
0xb: {  	v2 =	vand.u32 $0x3, v0;
	s10 =	simm.s32 $0x0;
	s5 =	sadd.s32 s5, s6;
	s3 =	smin.u32 s3, $0x12C000  }
0xc: {  	v1 =	vmul.u32 $0x2, v0;
	v4 =	vmul.u32 $0x2, v2;
	s5 =	sadd.s32 $0x28200, s5;
	s1 =	rddreg [dreg:$0x1];
	s7 =	sshrl.u32 s3, $0x3  }
0xd: {  	_ =	strace $0x80000047;
	s7 =	sadd.s32 s7, s6;
	s6 =	smax.u32 s31, $0x1  }
0xe: {  	v3 =	vor.u32 $0x1, v1;
	v2 =	vor.u32 $0xFFFFFFD8, v4;
	v4 =	vor.u32 $0xFFFFFFF8, v4;
	s4 =	sadd.s32 $0x1000, s7;
	s7 =	sadd.s32 s11, s9;
	s9 =	simm.s32 $0xC800  }
.LBB2_1:
0xf: {  	s11 =	sshrl.u32 s7, $0xB;
	s12 =	sadd.s32 $0x0, s7  }
0x10: {  	s11 =	smul.u32 $0xCCD, s11;
	s13 =	sshrl.u32 s12, $0xB  }
0x11: {  	s13 =	smul.u32 $0x3334, s13  }
0x12: {  	s11 =	sshrl.u32 s11, $0xE  }
0x13: {  	s11 =	smul.u32 $0xFFFFD800, s11;
	s13 =	sshrl.u32 s13, $0x10  }
0x14: {  	s13 =	smul.u32 $0x2800, s13  }
0x15: {  	s11 =	sadd.s32 s11, s12  }
0x16: {  	s11 =	sshra.s32 s11, $0x1;
	s24 =	ssub.s32 s13, s3  }
0x17: {  	s12 =	sadd.s32 s11, s24  }
0x18: {  	v5 =	vor.u32 s12, v0  }
0x19: {  	[tilespmem:s2], [sflag:$0x1] =	stream.linear.gather [hbm4b:s4+s2], $0xC800, $0x38;
	[tilespmem:$0x16440] =	vst v63  }
0x1a: {  	_ =	swait.ge [sflag:s8], $0xC800;
	s11 =	sadd.s32 $0x1400, s12  }
0x1b: {  	[sflag:s8] =	ssyncset.done $0x0;
	v6 =	vadd.s32 s11, v0  }
0x1c: {  	v7 =	vor.u32 s2, v1;
	[sflag:s8] =	ssyncadd.s32 $0xFFFF3800  }
0x1d: {  	v7 =	vand.u32 v2, v7;
	v5 =	vld.idx.msk [tilespmem:v5+s2+$0x0], $0xffff  }
0x1e: {  	s11 =	sadd.s32 $0x40, s7  }
0x1f: {  	s15 =	sadd.s32 $0x40, s7;
	s14 =	sshrl.u32 s11, $0xB  }
0x20: {  	v8 =	vor.u32 s2, v3;
	s28 =	sshrl.u32 s15, $0xB;
	s25 =	sor.u32 $0x10, s12;
	s26 =	smul.u32 $0xCCD, s14;
	v6 =	vld.idx.msk [tilespmem:v6+s2+$0x0], $0xffff  }
0x21: {  	s12 =	sadd.s32 $0x1410, s12;
	v9 =	vadd.s32 s25, v0;
	s14 =	smul.u32 $0x3334, s28  }
0x22: {  	s13 =	sshrl.u32 s26, $0xE;
	[tilespmem:v7+s9+$0x0] =	vst.idx.msk $0xffff, v5;
	v5 =	vadd.s32 s12, v0  }
0x23: {  	s30 =	sshrl.u32 s14, $0x10;
	s29 =	smul.u32 $0xFFFFD800, s13  }
0x24: {  	s16 =	simm.s32 $0x20;
	s13 =	smul.u32 $0x2800, s30  }
0x25: {  	s12 =	sadd.s32 s29, s15;
	[tilespmem:v8+s9+$0x0] =	vst.idx.msk $0xffff, v6;
	v6 =	vor.u32 s16, v1  }
0x26: {  	s13 =	ssub.s32 s13, s3;
	s12 =	sshra.s32 s12, $0x1;
	v9 =	vld.idx.msk [tilespmem:v9+s2+$0x0], $0xffff;
	v10 =	vand.u32 v4, v6  }
0x27: {  	v7 =	vor.u32 s16, v3;
	s31 =	sadd.s32 s12, s13;
	v5 =	vld.idx.msk [tilespmem:v5+s2+$0x0], $0xffff  }
0x28: {  	s17 =	sadd.s32 $0x1400, s31;
	v6 =	vor.u32 s31, v0  }
0x29: {  	v8 =	vadd.s32 s17, v0  }
0x2a: {  	s12 =	simm.s32 $0x40  }
0x2b: {  	s13 =	simm.s32 $0x80;
	s15 =	sor.u32 $0x10, s31;
	s14 =	sadd.s32 $0x1410, s31;
	[tilespmem:v10+s9+$0x0] =	vst.idx.msk $0xffff, v9  }
.LBB2_2:
0x2c: {  	p0 =	sne.s32 s13, $0x9C00;
	[tilespmem:v7+s9+$0x0] =	vst.idx.msk $0xffff, v5;
	s16 =	smov.u32 s13;
	s13 =	sadd.s32 $0x40, s13  }
0x2d: {  	v5 =	vld.idx.msk [tilespmem:v6+s2+$0x0], $0xffff;
	v6 =	vor.u32 s12, v1  }
0x2e: {  	s11 =	sadd.s32 $0x40, s11;
	v7 =	vld.idx.msk [tilespmem:v8+s2+$0x0], $0xffff;
	v6 =	vand.u32 v2, v6  }
0x2f: {  	s17 =	sshrl.u32 s11, $0xB;
	s18 =	sadd.s32 s16, s7;
	v8 =	vor.u32 s12, v3  }
0x30: {  	v9 =	vadd.s32 s15, v0;
	s17 =	smul.u32 $0xCCD, s17;
	s19 =	sshrl.u32 s18, $0xB  }
0x31: {  	v10 =	vadd.s32 s14, v0;
	s15 =	smul.u32 $0x3334, s19  }
0x32: {  	s14 =	sshrl.u32 s17, $0xE  }
0x33: {  	s14 =	smul.u32 $0xFFFFD800, s14;
	s15 =	sshrl.u32 s15, $0x10;
	[tilespmem:v6+s9+$0x0] =	vst.idx.msk $0xffff, v5  }
0x34: {  	s17 =	sadd.s32 $0x20, s12;
	s12 =	smov.u32 s16;
	s15 =	smul.u32 $0x2800, s15;
	[tilespmem:v8+s9+$0x0] =	vst.idx.msk $0xffff, v7  }
0x35: {  	s14 =	sadd.s32 s14, s18;
	v6 =	vor.u32 s17, v1;
	v9 =	vld.idx.msk [tilespmem:v9+s2+$0x0], $0xffff  }
0x36: {  	s14 =	sshra.s32 s14, $0x1;
	s15 =	ssub.s32 s15, s3;
	v5 =	vld.idx.msk [tilespmem:v10+s2+$0x0], $0xffff;
	v10 =	vand.u32 v4, v6  }
.Ltmp0:
0x37: {  	v7 =	vor.u32 s17, v3;
	s14 =	sadd.s32 s14, s15;
	(pc) =	sbr.rel @p0 .LBB2_2-.Ltmp0, $3  }
0x38: {  	v6 =	vor.u32 s14, v0;
	s16 =	sadd.s32 $0x1400, s14;
	s15 =	sor.u32 $0x10, s14;
	s14 =	sadd.s32 $0x1410, s14  }
0x39: {  	v8 =	vadd.s32 s16, v0;
	_ =	sdelay $0x1  }
0x3a: {  	[tilespmem:v10+s9+$0x0] =	vst.idx.msk $0xffff, v9  }
0x3b: {  	_ =	sdelay $0x3  }
0x3c: {  	[tilespmem:v7+s9+$0x0] =	vst.idx.msk $0xffff, v5;
	v5 =	vor.u32 s12, v1  }
0x3d: {  	v6 =	vld.idx.msk [tilespmem:v6+s2+$0x0], $0xffff;
	v5 =	vand.u32 v2, v5  }
0x3e: {  	v62 =	vor.u32 s12, v3;
	v7 =	vld.idx.msk [tilespmem:v8+s2+$0x0], $0xffff  }
0x3f: {  	v9 =	vadd.s32 s15, v0  }
0x40: {  	v10 =	vadd.s32 s14, v0;
	_ =	sdelay $0x1  }
0x41: {  	s11 =	sadd.s32 $0x20, s12;
	[tilespmem:v5+s9+$0x0] =	vst.idx.msk $0xffff, v6  }
0x42: {  	v5 =	vor.u32 s11, v1;
	[tilespmem:v62+s9+$0x0] =	vst.idx.msk $0xffff, v7  }
0x43: {  	v5 =	vand.u32 v4, v5;
	v6 =	vld.idx.msk [tilespmem:v9+s2+$0x0], $0xffff  }
0x44: {  	v63 =	vor.u32 s11, v3;
	v7 =	vld.idx.msk [tilespmem:v10+s2+$0x0], $0xffff;
	_ =	sdelay $0x2  }
0x45: {  	s10 =	sadd.s32 $0x1, s10  }
0x46: {  	p0 =	sne.s32 s10, s6;
	[tilespmem:v5+s9+$0x0] =	vst.idx.msk $0xffff, v6  }
.Ltmp1:
0x47: {  	[tilespmem:v63+s9+$0x0] =	vst.idx.msk $0xffff, v7;
	(pc) =	sbr.rel @p0 .LBB2_1-.Ltmp1, $4  }
0x48: {  	[hbm4b:s5+s2] =	stream.linear.scatter [tilespmem:s9], [sflag:$0x1], $0x9C40, $0x38;
	[tilespmem:$0x16440] =	vst v63  }
0x49: {  	_ =	swait.ge [sflag:s8], $0x9C40  }
0x4a: {  	[sflag:s8] =	ssyncset.done $0x0  }
0x4b: {  	[sflag:s8] =	ssyncadd.s32 $0xFFFF63C0  }
0x4c: {  	_ =	sfence.sel $0x180000  }
0x4d: {  	[bflag:$0x0] =	sbarrier.arrive $0xFFFF  }
0x4e: {  	p0 =	sne.s32 s0, $0x0;
	_ =	strace $0x90000047  }
0x4f: {  	s0 =	sadd.s32 @!p0 $0x100000, s1;
	[bflag:$0x2] =	sbarrier.arrive $0xFFFF  }
0x50: {  	[sflag:s0] =	ssyncadd.tile.s32 @!p0 $0x1;
	_ =	shalt  }
.Lfunc_end2:
_tile_overlayer_lowered:
.L_overlay_start_2:
0x51: {  	(tag) =	ssettag $0x2  }
0x52: {  	s0 =	rddreg [dreg:$0x0];
	s2 =	stileid.u32  }
0x53: {  	s1 =	rddreg [dreg:$0x1];
	p0 =	sne.s32 s2, $0x0  }
0x54: {  	s3 =	rddreg [dreg:$0x2];
	[bflag:$0x3] =	sbarrier.arrive $0xFFFF;
	s2 =	simm.s32 @!p0 $0x1C01  }
0x55: {  	[timem:s3], [sflag:s2] =	dma.local @!p0 [hbm:s0], s1  }
0x56: {  	s0 =	simm.s32 @!p0 $0x1  }
0x57: {  	_ =	swait.ge @!p0 [sflag:s0], s1  }
0x58: {  	s1 =	ssub.s32 @!p0 $0x0, s1;
	[sflag:s0] =	ssyncset.done @!p0 $0x0  }
0x59: {  	[sflag:s0] =	ssyncadd.s32 @!p0 s1  }
0x5a: {  	[bflag:$0x3] =	sbarrier.arrive $0xFFFF  }
0x5b: {  	_ =	shalt  }

// kernel: kernel.9.cloned.1.call-start
scs
__scs_entry_jumppad:
0x0: {  	(pc) =	sbr.rel $0x88, $3  }
0x1: {  	(tag) =	ssettag $0x0;
	lr =	simm.s32 $0x1  }
0x2: {  	[smem:$0x3F9E] =	sst lr;
	_ =	strace $0xD0000000  }
0x3: {  	_ = 	snop  }
0x4: {  	_ = 	snop  }
0x5: {  	_ = 	snop  }
0x6: {  	_ = 	snop  }
0x7: {  	_ = 	snop  }
__scs_overlays_trampoline_lowered:
0x8: {  	[smem:$0x3FAD] =	sst s0  }
0x9: {  	[smem:$0x3FAE] =	sst s1  }
0xa: {  	[smem:$0x3FAF] =	sst s2  }
0xb: {  	[smem:$0x3FB0] =	sst s3  }
0xc: {  	[smem:$0x3FB1] =	sst s4  }
0xd: {  	[smem:$0x3FB2] =	sst s5  }
0xe: {  	[smem:$0x3FB3] =	sst s6  }
0xf: {  	[smem:$0x3FB4] =	sst s7  }
0x10: {  	[smem:$0x3FB5] =	sst s8  }
0x11: {  	[smem:$0x3FB6] =	sst s9;
	s0 =	simm.s32 @!p0 $0x0  }
0x12: {  	s1 =	sld [smem:$0x3F9C];
	s0 =	simm.s32 @p0 $0x1  }
0x13: {  	[smem:$0x3FB7] =	sst s0;
	s0 =	simm.s32 @!p1 $0x0  }
0x14: {  	s2 =	sld [smem:$0x3F9B];
	s0 =	simm.s32 @p1 $0x1  }
0x15: {  	[smem:$0x3FB8] =	sst s0;
	s0 =	simm.s32 @!p2 $0x0  }
0x16: {  	s3 =	sld [smem:$0x3FDB];
	s0 =	simm.s32 @p2 $0x1  }
0x17: {  	s4 =	simm.s32 $0x1BF5;
	[smem:$0x3FBA] =	sst s0  }
0x18: {  	s0 =	sld [smem:$0x3F9D];
	_ =	swait.ge [sflag:s4], $0x0  }
0x19: {  	s7 =	sld [smem:$0x3F9E]  }
0x1a: {  	s8 =	sadd.s32 $0xFFFFE003, lr  }
0x1b: {  	s9 =	sadd.s32 $0xFFFFFEF7, lr;
	s5 =	simm.s32 $0xFFFFFFFF;
	p2 =	slt.u32 s8, $0xFFFFF086  }
0x1c: {  	p1 =	slt.u32 s9, $0xF7A;
	s5 =	simm.s32 @!p2 $0x0  }
0x1d: {  	s5 =	simm.s32 @p1 $0x1;
	p0 =	seq.s32 s7, s2  }
0x1e: {  	s7 =	smul.u32 @!p0 $0xF7A, s2;
	p2 =	seq.s32 @!p0 s5, $0x0  }
0x1f: {  	s9 =	smul.u32 $0xF7A, s1;
	s8 =	simm.s32 @!p0 $0x1BF5;
	p2 =	por !p2, p0  }
0x20: {  	[sflag:s8] =	ssyncset.s32 @!p0 $0xFFFFF086;
	s6 =	sadd.s32 @!p0 s3, s7;
	s7 =	simm.s32 @!p0 $0x108  }
0x21: {  	s3 =	sadd.s32 s3, s9;
	s6 =	sadd.s32 @!p0 $0x88, s6;
	s7 =	simm.s32 @p2 $0x1082  }
0x22: {  	[simem:s7], [sflag:s8] =	dma.local @!p0 [hbm:s6], $0xF7A  }
0x23: {  	s9 =	sor.u32 $0xD0000000, s2;
	s6 =	simm.s32 $0x108;
	_ =	swait.ge @!p0 [sflag:s8], $0x0  }
0x24: {  	s3 =	sadd.s32 $0x88, s3;
	s6 =	simm.s32 @!p1 $0x1082;
	[sflag:s4] =	ssyncset.s32 $0xFFFFF086  }
0x25: {  	[simem:s6], [sflag:s4] =	dma.local [hbm:s3], $0xF7A  }
0x26: {  	[smem:$0x3F9E] =	sst s1;
	(tag) =	ssettag s2;
	_ =	strace s9  }
0x27: {  	s1 =	sld [smem:$0x3FAE]  }
0x28: {  	s2 =	sld [smem:$0x3FAF]  }
0x29: {  	s4 =	sld [smem:$0x3FB1]  }
0x2a: {  	p0 =	seq.s32 s5, $0x0;
	s5 =	sld [smem:$0x3FB2]  }
0x2b: {  	s6 =	sld [smem:$0x3FB3]  }
0x2c: {  	s7 =	sld [smem:$0x3FB4]  }
0x2d: {  	s3 =	simm.s32 $0x108;
	s8 =	sld [smem:$0x3FB5]  }
0x2e: {  	s3 =	simm.s32 @!p0 $0x1082;
	s9 =	sld [smem:$0x3FB6]  }
0x2f: {  	lr =	sadd.s32 s0, s3;
	s0 =	sld [smem:$0x3FAD]  }
0x30: {  	s3 =	sld [smem:$0x3FB0]  }
0x31: {  	[smem:$0x3FB9] =	sst s10  }
0x32: {  	s10 =	sld [smem:$0x3FB7];
	_ =	sdelay $0x3  }
0x33: {  	p0 =	seq.s32 s10, $0x1;
	s10 =	sld [smem:$0x3FB9];
	_ =	sdelay $0x3  }
0x34: {  	[smem:$0x3FB9] =	sst s10  }
0x35: {  	s10 =	sld [smem:$0x3FB8];
	_ =	sdelay $0x3  }
0x36: {  	p1 =	seq.s32 s10, $0x1;
	s10 =	sld [smem:$0x3FB9];
	_ =	sdelay $0x3  }
0x37: {  	[smem:$0x3FB9] =	sst s10  }
0x38: {  	s10 =	sld [smem:$0x3FBA]  }
0x39: {  	_ = 	snop;
	(pc) =	sbr.ind lr, $3  }
0x3a: {  	_ = 	snop  }
0x3b: {  	_ = 	snop  }
0x3c: {  	p2 =	seq.s32 s10, $0x1;
	s10 =	sld [smem:$0x3FB9]  }
0x3d: {  	_ =	shalt  }
0x3e: {  	_ =	shalt  }
0x3f: {  	_ =	shalt  }
0x40: {  	_ =	shalt  }
0x41: {  	_ =	shalt  }
0x42: {  	_ =	shalt  }
0x43: {  	_ =	shalt  }
0x44: {  	_ =	shalt  }
0x45: {  	_ =	shalt  }
0x46: {  	_ =	shalt  }
0x47: {  	_ =	shalt  }
0x48: {  	_ =	shalt  }
0x49: {  	_ =	shalt  }
0x4a: {  	_ =	shalt  }
0x4b: {  	_ =	shalt  }
0x4c: {  	_ =	shalt  }
0x4d: {  	_ =	shalt  }
0x4e: {  	_ =	shalt  }
0x4f: {  	_ =	shalt  }
0x50: {  	_ =	shalt  }
0x51: {  	_ =	shalt  }
0x52: {  	_ =	shalt  }
0x53: {  	_ =	shalt  }
0x54: {  	_ =	shalt  }
0x55: {  	_ =	shalt  }
0x56: {  	_ =	shalt  }
0x57: {  	_ =	shalt  }
0x58: {  	_ =	shalt  }
0x59: {  	_ =	shalt  }
0x5a: {  	_ =	shalt  }
0x5b: {  	_ =	shalt  }
0x5c: {  	_ =	shalt  }
0x5d: {  	_ =	shalt  }
0x5e: {  	_ =	shalt  }
0x5f: {  	_ =	shalt  }
0x60: {  	_ =	shalt  }
0x61: {  	_ =	shalt  }
0x62: {  	_ =	shalt  }
0x63: {  	_ =	shalt  }
0x64: {  	_ =	shalt  }
0x65: {  	_ =	shalt  }
0x66: {  	_ =	shalt  }
0x67: {  	_ =	shalt  }
0x68: {  	_ =	shalt  }
0x69: {  	_ =	shalt  }
0x6a: {  	_ =	shalt  }
0x6b: {  	_ =	shalt  }
0x6c: {  	_ =	shalt  }
0x6d: {  	_ =	shalt  }
0x6e: {  	_ =	shalt  }
0x6f: {  	_ =	shalt  }
0x70: {  	_ =	shalt  }
0x71: {  	_ =	shalt  }
0x72: {  	_ =	shalt  }
0x73: {  	_ =	shalt  }
0x74: {  	_ =	shalt  }
0x75: {  	_ =	shalt  }
0x76: {  	_ =	shalt  }
0x77: {  	_ =	shalt  }
0x78: {  	_ =	shalt  }
0x79: {  	_ =	shalt  }
0x7a: {  	_ =	shalt  }
0x7b: {  	_ =	shalt  }
0x7c: {  	_ =	shalt  }
0x7d: {  	_ =	shalt  }
0x7e: {  	_ =	shalt  }
0x7f: {  	_ =	shalt  }
0x80: {  	_ =	shalt  }
0x81: {  	_ =	shalt  }
0x82: {  	_ =	shalt  }
0x83: {  	_ =	shalt  }
0x84: {  	_ =	shalt  }
0x85: {  	_ =	shalt  }
0x86: {  	_ =	shalt  }
0x87: {  	_ =	shalt  }
.Lfunc_end0:
.L_simem_size_0:
called_computation.1_lowered:
.L_overlay_start_0:
0x88: {  	s2 =	sld [smem:$0x3FD9]  }
0x89: {  	s3 =	sld [smem:$0x3FFE];
	_ =	sdelay $0x1  }
0x8a: {  	s1 =	srdreg.scid  }
0x8b: {  	s0 =	sand.u32 $0x1, s1  }
0x8c: {  	s17 =	sshll.u32 s0, $0xA;
	s2 =	sadd.s32 s3, s2  }
0x8d: {  	s2 =	sadd.s32 s2, s17  }
0x8e: {  	[smem:$0x3FC5] =	sst s2  }
0x8f: {  	_ = 	snop  }
0x90: {  	s2 =	sld [smem:$0x3FD0];
	(tm) =	ssettm $0x1  }
0x91: {  	s18 =	sld [smem:$0x3FFB];
	_ =	sdelay $0x3  }
0x92: {  	_ =	strace s18  }
0x93: {  	s3 =	sld [smem:$0x3FFC];
	_ =	sdelay $0x3  }
0x94: {  	_ =	strace s3  }
0x95: {  	s3 =	sld [smem:$0x3FFD];
	_ =	sdelay $0x3  }
0x96: {  	_ =	strace s3  }
0x97: {  	_ =	strace $0x8FFFFFFF  }
0x98: {  	s19 =	sld [smem:$0x3FDB];
	_ =	sdelay $0x1  }
0x99: {  	s4 =	simm.s32 $_scs_section_size  }
0x9a: {  	s5 =	simm.s32 $_size__tile_overlayer_lowered;
	s6 =	simm.s32 $_tile_overlayer_lowered  }
0x9b: {  	s22 =	simm.s32 $0x1BFF;
	s21 =	sshll.u32 s6, $0x1;
	s3 =	sadd.s32 s4, s19  }
0x9c: {  	s7 =	simm.s32 $0x0;
	s20 =	sshll.u32 s5, $0x1;
	s5 =	sadd.s32 s21, s3  }
0x9d: {  	[timem:s7], [sflag:s22] =	dma.local [hbm:s5], s20  }
0x9e: {  	_ =	swait.ge [sflag:s22], s20  }
0x9f: {  	s4 =	ssub.s32 $0x0, s20;
	[sflag:s22] =	ssyncset.done $0x0  }
0xa0: {  	[sflag:s22] =	ssyncadd.s32 s4;
	_ =	sdelay $0x1  }
0xa1: {  	s23 =	simm.s32 $0x1B8B  }
0xa2: {  	_ =	swait.ge [sflag:s23], $0x1  }
0xa3: {  	[sflag:s23] =	ssyncset.done $0x0  }
0xa4: {  	s25 =	simm.s32 $0x1B8E;
	s24 =	sld [smem:$0x3FFE];
	[sflag:s23] =	ssyncadd.s32 $0xFFFFFFFF  }
0xa5: {  	s26 =	simm.s32 $execute0_lowered;
	[smem:$0x3FD2] =	sst s25  }
0xa6: {  	s5 =	sshll.u32 s26, $0x1;
	_ =	strace $0x80000049;
	[dreg:$0x1] =	wrdreg $0xFFFFFFFF  }
0xa7: {  	s28 =	simm.s32 $_size_execute0_lowered;
	s3 =	sadd.s32 s3, s5;
	[dreg:$0x0] =	wrdreg $0x0  }
0xa8: {  	s5 =	sshll.u32 s28, $0x1;
	[dreg:$0x2] =	wrdreg s3  }
0xa9: {  	[dreg:$0x3] =	wrdreg s5  }
0xaa: {  	[dreg:$0x4] =	wrdreg $0xC0  }
0xab: {  	_ =	task [dreg:s7], $0x5FFFF  }
0xac: {  	[dreg:$0x1] =	wrdreg $0xFFFFFFFF  }
0xad: {  	[dreg:$0x0] =	wrdreg $0x60  }
0xae: {  	[dreg:$0x2] =	wrdreg s2  }
0xaf: {  	[dreg:$0x3] =	wrdreg s24  }
0xb0: {  	[dreg:$0x4] =	wrdreg $0x9  }
0xb1: {  	_ =	task.clear_ibuf [dreg:s7], $0x5FFFF;
	_ =	strace $0x90000049  }
0xb2: {  	s29 =	simm.s32 $0x9;
	_ =	strace $0x8000004B  }
0xb3: {  	_ =	swait.ge [sflag:s29], $0x1  }
0xb4: {  	[sflag:s29] =	ssyncadd.s32 $0xFFFFFFFF  }
0xb5: {  	_ =	strace $0x9000004B  }
0xb6: {  	_ =	sfence  }
0xb7: {  	s30 =	sld [smem:$0x0];
	_ =	sdelay $0x2  }
0xb8: {  	s31 =	sshll.u32 s1, $0xD;
	s1 =	sshrl.u32 s1, $0x2  }
0xb9: {  	s3 =	sand.u32 $0x4000, s31;
	s1 =	sadd.s32 s1, s30  }
0xba: {  	s0 =	sor.u32 s3, s0;
	s1 =	sshll.u32 s1, $0x11  }
0xbb: {  	s0 =	sor.u32 s1, s0  }
0xbc: {  	s0 =	sadd.s32 $0x8F2B, s0  }
0xbd: {  	[sflag:s0] =	ssyncadd.remote.s32 $0x1  }
0xbe: {  	_ =	sfence.sel $0xFFFF  }
0xbf: {  	[dreg:$0x0] =	wrdreg $0xFFFFFFFF;
	(pc) =	sbr.abs _section_cstart, $3  }
0xc0: {  	[dreg:$0x1] =	wrdreg $0xFFFFFFFF  }
0xc1: {  	_ =	task.clear_ibuf [dreg:s7], $0x2FFFF;
	_ =	strace $0x9FFFFFFF  }
0xc2: {  	(tm) =	ssettm $0x7FFFFFFF  }
0xc3: {  	_ =	shalt  }
tec
execute0_lowered:
.L_overlay_start_1:
0x0: {  	(tag) =	ssettag $0x1  }
0x1: {  	s1 =	srdreg.scid;
	s2 =	rddreg [dreg:$0x0]  }
0x2: {  	s0 =	stileid.u32;
	s6 =	rddreg [dreg:$0x1]  }
0x3: {  	s3 =	simm.s32 $0x0;
	s12 =	simm.s32 $0xD840;
	s13 =	simm.s32 $0xEC40  }
0x4: {  	s14 =	simm.s32 $0x10040;
	s15 =	simm.s32 $0x11440;
	s16 =	simm.s32 $0x12840  }
0x5: {  	s5 =	sand.u32 $0x1, s1;
	s4 =	smul.u32 $0x13880, s0;
	s1 =	rddreg [dreg:$0x2]  }
0x6: {  	s8 =	sshll.u32 s0, $0x1;
	[smem:$0x7FF] =	sst s3;
	s10 =	smul.u32 $0x9C400, s0  }
0x7: {  	s7 =	smul.u32 $0x9C40, s5;
	s17 =	sor.u32 s5, s8;
	_ =	strace $0x8000004A  }
0x8: {  	s25 =	ssub.s32 $0x2, s5;
	s5 =	smul.u32 $0x4E200, s5;
	s8 =	simm.s32 $0x50  }
0x9: {  	s19 =	smul.u32 $0x9C40, s17;
	s11 =	sshrl.u32 s25, $0x1;
	s4 =	sadd.s32 s7, s4  }
0xa: {  	s17 =	simm.s32 $0x13C40;
	s31 =	sadd.s32 s5, s10;
	s18 =	sshll.u32 s4, $0x3  }
0xb: {  	s7 =	ssub.s32 s25, s11;
	[dreg:$0xc] =	wrdreg s31;
	s20 =	sadd.s32 $0x1680, s18  }
0xc: {  	s10 =	simm.s32 $0xB040;
	s21 =	sadd.s32 $0x1400, s18;
	[dreg:$0x3] =	wrdreg s20  }
0xd: {  	s11 =	simm.s32 $0xC440;
	s22 =	sadd.s32 $0x1180, s18;
	[dreg:$0x4] =	wrdreg s21  }
0xe: {  	s4 =	sshrl.u32 s19, $0x3;
	s23 =	sadd.s32 $0xF00, s18;
	[dreg:$0x5] =	wrdreg s22  }
0xf: {  	s19 =	simm.s32 $0x1;
	s24 =	sadd.s32 $0xC80, s18;
	[dreg:$0x6] =	wrdreg s23  }
0x10: {  	s9 =	sadd.s32 s4, s6;
	s26 =	sadd.s32 $0xA00, s18;
	[dreg:$0x7] =	wrdreg s24  }
0x11: {  	s4 =	sadd.s32 $0x4F400, s6;
	s28 =	sadd.s32 $0x780, s18;
	[dreg:$0x8] =	wrdreg s26  }
0x12: {  	s29 =	sadd.s32 $0x500, s18;
	s30 =	sadd.s32 $0x280, s18;
	[dreg:$0x9] =	wrdreg s28  }
0x13: {  	s6 =	smax.u32 s7, $0x1;
	s7 =	simm.s32 $0x3;
	[dreg:$0xa] =	wrdreg s29  }
0x14: {  	s18 =	simm.s32 $0x15040;
	[dreg:$0xb] =	wrdreg s30;
	s5 =	sadd.s32 $0x28200, s9  }
0x15: {  	s9 =	simm.s32 $0x9C40;
	s20 =	simm.s32 $0x2;
	s21 =	simm.s32 $0x0  }
.LBB2_1:
0x16: {  	[tilespmem:s3], [sflag:$0x3] =	stream.linear.gather [hbm4b:s5+s3], $0x9C40, $0x38;
	[tilespmem:$0x16440] =	vst v63  }
0x17: {  	_ =	swait.ge [sflag:s7], $0x9C40  }
0x18: {  	[sflag:s7] =	ssyncset.done $0x0  }
0x19: {  	s22 =	simm.s32 $0x0;
	[sflag:s7] =	ssyncadd.s32 $0xFFFF63C0  }
0x1a: {  	[tilespmem:s9], [sflag:$0x1] =	stream.indirect.gather [hbm4b:s2+s8], $0x40, s22, s8, $0xb8;
	[tilespmem:$0x16440] =	vst v63  }
0x1b: {  	s29 =	simm.s32 $0x50  }
0x1c: {  	[tilespmem:s10], [sflag:$0x1] =	stream.indirect.gather [hbm4b:s2+s8], $0x40, s29, s8, $0xb8;
	[tilespmem:$0x16440] =	vst v63  }
0x1d: {  	s30 =	simm.s32 $0xA0  }
0x1e: {  	[tilespmem:s11], [sflag:$0x1] =	stream.indirect.gather [hbm4b:s2+s8], $0x40, s30, s8, $0xb8;
	[tilespmem:$0x16440] =	vst v63  }
0x1f: {  	s31 =	simm.s32 $0xF0  }
0x20: {  	[tilespmem:s12], [sflag:$0x1] =	stream.indirect.gather [hbm4b:s2+s8], $0x40, s31, s8, $0xb8;
	[tilespmem:$0x16440] =	vst v63  }
0x21: {  	s23 =	simm.s32 $0x140  }
0x22: {  	[tilespmem:s13], [sflag:$0x1] =	stream.indirect.gather [hbm4b:s2+s8], $0x40, s23, s8, $0xb8;
	[tilespmem:$0x16440] =	vst v63  }
0x23: {  	s24 =	simm.s32 $0x190  }
0x24: {  	[tilespmem:s14], [sflag:$0x1] =	stream.indirect.gather [hbm4b:s2+s8], $0x40, s24, s8, $0xb8;
	[tilespmem:$0x16440] =	vst v63  }
0x25: {  	s25 =	simm.s32 $0x1E0  }
0x26: {  	[tilespmem:s15], [sflag:$0x1] =	stream.indirect.gather [hbm4b:s2+s8], $0x40, s25, s8, $0xb8;
	[tilespmem:$0x16440] =	vst v63  }
0x27: {  	s26 =	simm.s32 $0x230  }
0x28: {  	[tilespmem:s16], [sflag:$0x1] =	stream.indirect.gather [hbm4b:s2+s8], $0x40, s26, s8, $0xb8;
	[tilespmem:$0x16440] =	vst v63  }
0x29: {  	s28 =	simm.s32 $0x280  }
0x2a: {  	[tilespmem:s17], [sflag:$0x1] =	stream.indirect.gather [hbm4b:s2+s8], $0x40, s28, s8, $0xb8;
	[tilespmem:$0x16440] =	vst v63  }
0x2b: {  	s29 =	simm.s32 $0x2D0  }
0x2c: {  	[tilespmem:s18], [sflag:$0x1] =	stream.indirect.gather [hbm4b:s2+s8], $0x40, s29, s8, $0xb8;
	[tilespmem:$0x16440] =	vst v63  }
0x2d: {  	_ =	swait.ge [sflag:s19], $0x1400  }
0x2e: {  	s30 =	rddreg [dreg:$0xc];
	[sflag:s19] =	ssyncset.done $0x0  }
0x2f: {  	[sflag:s19] =	ssyncadd.s32 $0xFFFFEC00;
	s22 =	sadd.s32 s4, s30  }
0x30: {  	[hbm4b:s22+s3] =	stream.linear.scatter [tilespmem:s9], [sflag:$0x2], $0x1400, $0x38;
	[tilespmem:$0x16440] =	vst v63  }
0x31: {  	_ =	swait.ge [sflag:s19], $0x1400  }
0x32: {  	s31 =	rddreg [dreg:$0xb];
	[sflag:s19] =	ssyncset.done $0x0  }
0x33: {  	[sflag:s19] =	ssyncadd.s32 $0xFFFFEC00;
	s22 =	sadd.s32 s4, s31  }
0x34: {  	[hbm4b:s22+s3] =	stream.linear.scatter [tilespmem:s10], [sflag:$0x2], $0x1400, $0x38;
	[tilespmem:$0x16440] =	vst v63  }
0x35: {  	_ =	swait.ge [sflag:s19], $0x1400  }
0x36: {  	s23 =	rddreg [dreg:$0xa];
	[sflag:s19] =	ssyncset.done $0x0  }
0x37: {  	[sflag:s19] =	ssyncadd.s32 $0xFFFFEC00;
	s22 =	sadd.s32 s4, s23  }
0x38: {  	[hbm4b:s22+s3] =	stream.linear.scatter [tilespmem:s11], [sflag:$0x2], $0x1400, $0x38;
	[tilespmem:$0x16440] =	vst v63  }
0x39: {  	_ =	swait.ge [sflag:s19], $0x1400  }
0x3a: {  	s24 =	rddreg [dreg:$0x9];
	[sflag:s19] =	ssyncset.done $0x0  }
0x3b: {  	[sflag:s19] =	ssyncadd.s32 $0xFFFFEC00;
	s22 =	sadd.s32 s4, s24  }
0x3c: {  	[hbm4b:s22+s3] =	stream.linear.scatter [tilespmem:s12], [sflag:$0x2], $0x1400, $0x38;
	[tilespmem:$0x16440] =	vst v63  }
0x3d: {  	_ =	swait.ge [sflag:s19], $0x1400  }
0x3e: {  	s25 =	rddreg [dreg:$0x8];
	[sflag:s19] =	ssyncset.done $0x0  }
0x3f: {  	[sflag:s19] =	ssyncadd.s32 $0xFFFFEC00;
	s22 =	sadd.s32 s4, s25  }
0x40: {  	[hbm4b:s22+s3] =	stream.linear.scatter [tilespmem:s13], [sflag:$0x2], $0x1400, $0x38;
	[tilespmem:$0x16440] =	vst v63  }
0x41: {  	_ =	swait.ge [sflag:s19], $0x1400  }
0x42: {  	s26 =	rddreg [dreg:$0x7];
	[sflag:s19] =	ssyncset.done $0x0  }
0x43: {  	[sflag:s19] =	ssyncadd.s32 $0xFFFFEC00;
	s22 =	sadd.s32 s4, s26  }
0x44: {  	[hbm4b:s22+s3] =	stream.linear.scatter [tilespmem:s14], [sflag:$0x2], $0x1400, $0x38;
	[tilespmem:$0x16440] =	vst v63  }
0x45: {  	_ =	swait.ge [sflag:s19], $0x1400  }
0x46: {  	s28 =	rddreg [dreg:$0x6];
	[sflag:s19] =	ssyncset.done $0x0  }
0x47: {  	[sflag:s19] =	ssyncadd.s32 $0xFFFFEC00;
	s22 =	sadd.s32 s4, s28  }
0x48: {  	[hbm4b:s22+s3] =	stream.linear.scatter [tilespmem:s15], [sflag:$0x2], $0x1400, $0x38;
	[tilespmem:$0x16440] =	vst v63  }
0x49: {  	_ =	swait.ge [sflag:s19], $0x1400  }
0x4a: {  	s29 =	rddreg [dreg:$0x5];
	[sflag:s19] =	ssyncset.done $0x0  }
0x4b: {  	[sflag:s19] =	ssyncadd.s32 $0xFFFFEC00;
	s22 =	sadd.s32 s4, s29  }
0x4c: {  	[hbm4b:s22+s3] =	stream.linear.scatter [tilespmem:s16], [sflag:$0x2], $0x1400, $0x38;
	[tilespmem:$0x16440] =	vst v63  }
0x4d: {  	_ =	swait.ge [sflag:s19], $0x1400  }
0x4e: {  	s30 =	rddreg [dreg:$0x4];
	[sflag:s19] =	ssyncset.done $0x0  }
0x4f: {  	[sflag:s19] =	ssyncadd.s32 $0xFFFFEC00;
	s22 =	sadd.s32 s4, s30  }
0x50: {  	[hbm4b:s22+s3] =	stream.linear.scatter [tilespmem:s17], [sflag:$0x2], $0x1400, $0x38;
	[tilespmem:$0x16440] =	vst v63  }
0x51: {  	_ =	swait.ge [sflag:s19], $0x1400  }
0x52: {  	s31 =	rddreg [dreg:$0x3];
	[sflag:s19] =	ssyncset.done $0x0  }
0x53: {  	[sflag:s19] =	ssyncadd.s32 $0xFFFFEC00;
	s22 =	sadd.s32 s4, s31  }
0x54: {  	[hbm4b:s22+s3] =	stream.linear.scatter [tilespmem:s18], [sflag:$0x2], $0x1400, $0x38;
	[tilespmem:$0x16440] =	vst v63  }
0x55: {  	_ =	swait.ge [sflag:s20], $0x1400  }
0x56: {  	[sflag:s20] =	ssyncset.done $0x0  }
0x57: {  	[sflag:s20] =	ssyncadd.s32 $0xFFFFEC00  }
0x58: {  	_ =	swait.ge [sflag:s20], $0x1400  }
0x59: {  	[sflag:s20] =	ssyncset.done $0x0  }
0x5a: {  	[sflag:s20] =	ssyncadd.s32 $0xFFFFEC00  }
0x5b: {  	_ =	swait.ge [sflag:s20], $0x1400  }
0x5c: {  	[sflag:s20] =	ssyncset.done $0x0  }
0x5d: {  	[sflag:s20] =	ssyncadd.s32 $0xFFFFEC00  }
0x5e: {  	_ =	swait.ge [sflag:s20], $0x1400  }
0x5f: {  	[sflag:s20] =	ssyncset.done $0x0  }
0x60: {  	[sflag:s20] =	ssyncadd.s32 $0xFFFFEC00  }
0x61: {  	_ =	swait.ge [sflag:s20], $0x1400  }
0x62: {  	[sflag:s20] =	ssyncset.done $0x0  }
0x63: {  	[sflag:s20] =	ssyncadd.s32 $0xFFFFEC00  }
0x64: {  	_ =	swait.ge [sflag:s20], $0x1400  }
0x65: {  	[sflag:s20] =	ssyncset.done $0x0  }
0x66: {  	[sflag:s20] =	ssyncadd.s32 $0xFFFFEC00  }
0x67: {  	_ =	swait.ge [sflag:s20], $0x1400  }
0x68: {  	[sflag:s20] =	ssyncset.done $0x0  }
0x69: {  	[sflag:s20] =	ssyncadd.s32 $0xFFFFEC00  }
0x6a: {  	_ =	swait.ge [sflag:s20], $0x1400  }
0x6b: {  	[sflag:s20] =	ssyncset.done $0x0  }
0x6c: {  	[sflag:s20] =	ssyncadd.s32 $0xFFFFEC00  }
0x6d: {  	_ =	swait.ge [sflag:s20], $0x1400  }
0x6e: {  	[sflag:s20] =	ssyncset.done $0x0  }
0x6f: {  	[sflag:s20] =	ssyncadd.s32 $0xFFFFEC00  }
0x70: {  	s23 =	simm.s32 $0xC80;
	_ =	swait.ge [sflag:s20], $0x1400  }
0x71: {  	s25 =	simm.s32 $0x1900;
	s22 =	sadd.s32 $0x1900, s4;
	[sflag:s20] =	ssyncset.done $0x0  }
.LBB2_2:
0x72: {  	s26 =	sshra.s32 s23, $0x2;
	[sflag:s20] =	ssyncadd.s32 $0xFFFFEC00  }
0x73: {  	[tilespmem:s9], [sflag:$0x1] =	stream.indirect.gather [hbm4b:s2+s8], $0x40, s26, s8, $0xb8;
	[tilespmem:$0x16440] =	vst v63  }
0x74: {  	s31 =	sadd.s32 $0x50, s26  }
0x75: {  	[tilespmem:s10], [sflag:$0x1] =	stream.indirect.gather [hbm4b:s2+s8], $0x40, s31, s8, $0xb8;
	[tilespmem:$0x16440] =	vst v63  }
0x76: {  	s28 =	sadd.s32 $0xA0, s26  }
0x77: {  	[tilespmem:s11], [sflag:$0x1] =	stream.indirect.gather [hbm4b:s2+s8], $0x40, s28, s8, $0xb8;
	[tilespmem:$0x16440] =	vst v63  }
0x78: {  	s29 =	sadd.s32 $0xF0, s26  }
0x79: {  	[tilespmem:s12], [sflag:$0x1] =	stream.indirect.gather [hbm4b:s2+s8], $0x40, s29, s8, $0xb8;
	[tilespmem:$0x16440] =	vst v63  }
0x7a: {  	s30 =	sadd.s32 $0x140, s26  }
0x7b: {  	[tilespmem:s13], [sflag:$0x1] =	stream.indirect.gather [hbm4b:s2+s8], $0x40, s30, s8, $0xb8;
	[tilespmem:$0x16440] =	vst v63  }
0x7c: {  	s31 =	sadd.s32 $0x190, s26  }
0x7d: {  	[tilespmem:s14], [sflag:$0x1] =	stream.indirect.gather [hbm4b:s2+s8], $0x40, s31, s8, $0xb8;
	[tilespmem:$0x16440] =	vst v63  }
0x7e: {  	s28 =	sadd.s32 $0x1E0, s26  }
0x7f: {  	[tilespmem:s15], [sflag:$0x1] =	stream.indirect.gather [hbm4b:s2+s8], $0x40, s28, s8, $0xb8;
	[tilespmem:$0x16440] =	vst v63  }
0x80: {  	s29 =	sadd.s32 $0x230, s26  }
0x81: {  	[tilespmem:s16], [sflag:$0x1] =	stream.indirect.gather [hbm4b:s2+s8], $0x40, s29, s8, $0xb8;
	[tilespmem:$0x16440] =	vst v63  }
0x82: {  	s30 =	sadd.s32 $0x280, s26  }
0x83: {  	[tilespmem:s17], [sflag:$0x1] =	stream.indirect.gather [hbm4b:s2+s8], $0x40, s30, s8, $0xb8;
	[tilespmem:$0x16440] =	vst v63  }
0x84: {  	s31 =	sadd.s32 $0x2D0, s26  }
0x85: {  	[tilespmem:s18], [sflag:$0x1] =	stream.indirect.gather [hbm4b:s2+s8], $0x40, s31, s8, $0xb8;
	[tilespmem:$0x16440] =	vst v63  }
0x86: {  	s23 =	smov.u32 s25;
	_ =	swait.ge [sflag:s19], $0x1400  }
0x87: {  	s24 =	sadd.s32 $0xC80, s25;
	s26 =	rddreg [dreg:$0xc];
	[sflag:s19] =	ssyncset.done $0x0  }
0x88: {  	p0 =	sne.s32 s25, $0x26480;
	[sflag:s19] =	ssyncadd.s32 $0xFFFFEC00;
	s25 =	sadd.s32 s22, s26  }
0x89: {  	[hbm4b:s25+s3] =	stream.linear.scatter [tilespmem:s9], [sflag:$0x2], $0x1400, $0x38;
	[tilespmem:$0x16440] =	vst v63  }
0x8a: {  	_ =	swait.ge [sflag:s19], $0x1400  }
0x8b: {  	s28 =	rddreg [dreg:$0xb];
	[sflag:s19] =	ssyncset.done $0x0  }
0x8c: {  	[sflag:s19] =	ssyncadd.s32 $0xFFFFEC00;
	s25 =	sadd.s32 s22, s28  }
0x8d: {  	[hbm4b:s25+s3] =	stream.linear.scatter [tilespmem:s10], [sflag:$0x2], $0x1400, $0x38;
	[tilespmem:$0x16440] =	vst v63  }
0x8e: {  	_ =	swait.ge [sflag:s19], $0x1400  }
0x8f: {  	s29 =	rddreg [dreg:$0xa];
	[sflag:s19] =	ssyncset.done $0x0  }
0x90: {  	[sflag:s19] =	ssyncadd.s32 $0xFFFFEC00;
	s25 =	sadd.s32 s22, s29  }
0x91: {  	[hbm4b:s25+s3] =	stream.linear.scatter [tilespmem:s11], [sflag:$0x2], $0x1400, $0x38;
	[tilespmem:$0x16440] =	vst v63  }
0x92: {  	_ =	swait.ge [sflag:s19], $0x1400  }
0x93: {  	s30 =	rddreg [dreg:$0x9];
	[sflag:s19] =	ssyncset.done $0x0  }
0x94: {  	[sflag:s19] =	ssyncadd.s32 $0xFFFFEC00;
	s25 =	sadd.s32 s22, s30  }
0x95: {  	[hbm4b:s25+s3] =	stream.linear.scatter [tilespmem:s12], [sflag:$0x2], $0x1400, $0x38;
	[tilespmem:$0x16440] =	vst v63  }
0x96: {  	_ =	swait.ge [sflag:s19], $0x1400  }
0x97: {  	s31 =	rddreg [dreg:$0x8];
	[sflag:s19] =	ssyncset.done $0x0  }
0x98: {  	[sflag:s19] =	ssyncadd.s32 $0xFFFFEC00;
	s25 =	sadd.s32 s22, s31  }
0x99: {  	[hbm4b:s25+s3] =	stream.linear.scatter [tilespmem:s13], [sflag:$0x2], $0x1400, $0x38;
	[tilespmem:$0x16440] =	vst v63  }
0x9a: {  	_ =	swait.ge [sflag:s19], $0x1400  }
0x9b: {  	s26 =	rddreg [dreg:$0x7];
	[sflag:s19] =	ssyncset.done $0x0  }
0x9c: {  	[sflag:s19] =	ssyncadd.s32 $0xFFFFEC00;
	s25 =	sadd.s32 s22, s26  }
0x9d: {  	[hbm4b:s25+s3] =	stream.linear.scatter [tilespmem:s14], [sflag:$0x2], $0x1400, $0x38;
	[tilespmem:$0x16440] =	vst v63  }
0x9e: {  	_ =	swait.ge [sflag:s19], $0x1400  }
0x9f: {  	s28 =	rddreg [dreg:$0x6];
	[sflag:s19] =	ssyncset.done $0x0  }
0xa0: {  	[sflag:s19] =	ssyncadd.s32 $0xFFFFEC00;
	s25 =	sadd.s32 s22, s28  }
0xa1: {  	[hbm4b:s25+s3] =	stream.linear.scatter [tilespmem:s15], [sflag:$0x2], $0x1400, $0x38;
	[tilespmem:$0x16440] =	vst v63  }
0xa2: {  	_ =	swait.ge [sflag:s19], $0x1400  }
0xa3: {  	s29 =	rddreg [dreg:$0x5];
	[sflag:s19] =	ssyncset.done $0x0  }
0xa4: {  	[sflag:s19] =	ssyncadd.s32 $0xFFFFEC00;
	s25 =	sadd.s32 s22, s29  }
0xa5: {  	[hbm4b:s25+s3] =	stream.linear.scatter [tilespmem:s16], [sflag:$0x2], $0x1400, $0x38;
	[tilespmem:$0x16440] =	vst v63  }
0xa6: {  	_ =	swait.ge [sflag:s19], $0x1400  }
0xa7: {  	s30 =	rddreg [dreg:$0x4];
	[sflag:s19] =	ssyncset.done $0x0  }
0xa8: {  	[sflag:s19] =	ssyncadd.s32 $0xFFFFEC00;
	s25 =	sadd.s32 s22, s30  }
0xa9: {  	[hbm4b:s25+s3] =	stream.linear.scatter [tilespmem:s17], [sflag:$0x2], $0x1400, $0x38;
	[tilespmem:$0x16440] =	vst v63  }
0xaa: {  	_ =	swait.ge [sflag:s19], $0x1400  }
0xab: {  	s31 =	rddreg [dreg:$0x3];
	[sflag:s19] =	ssyncset.done $0x0  }
0xac: {  	[sflag:s19] =	ssyncadd.s32 $0xFFFFEC00;
	s25 =	sadd.s32 s22, s31  }
0xad: {  	[hbm4b:s25+s3] =	stream.linear.scatter [tilespmem:s18], [sflag:$0x2], $0x1400, $0x38;
	[tilespmem:$0x16440] =	vst v63  }
0xae: {  	_ =	swait.ge [sflag:s20], $0x1400  }
0xaf: {  	[sflag:s20] =	ssyncset.done $0x0  }
0xb0: {  	[sflag:s20] =	ssyncadd.s32 $0xFFFFEC00  }
0xb1: {  	_ =	swait.ge [sflag:s20], $0x1400  }
0xb2: {  	[sflag:s20] =	ssyncset.done $0x0  }
0xb3: {  	[sflag:s20] =	ssyncadd.s32 $0xFFFFEC00  }
0xb4: {  	_ =	swait.ge [sflag:s20], $0x1400  }
0xb5: {  	[sflag:s20] =	ssyncset.done $0x0  }
0xb6: {  	[sflag:s20] =	ssyncadd.s32 $0xFFFFEC00  }
0xb7: {  	_ =	swait.ge [sflag:s20], $0x1400  }
0xb8: {  	[sflag:s20] =	ssyncset.done $0x0  }
0xb9: {  	[sflag:s20] =	ssyncadd.s32 $0xFFFFEC00  }
0xba: {  	_ =	swait.ge [sflag:s20], $0x1400  }
0xbb: {  	[sflag:s20] =	ssyncset.done $0x0  }
0xbc: {  	[sflag:s20] =	ssyncadd.s32 $0xFFFFEC00  }
0xbd: {  	_ =	swait.ge [sflag:s20], $0x1400  }
0xbe: {  	[sflag:s20] =	ssyncset.done $0x0  }
0xbf: {  	[sflag:s20] =	ssyncadd.s32 $0xFFFFEC00  }
0xc0: {  	_ =	swait.ge [sflag:s20], $0x1400  }
0xc1: {  	[sflag:s20] =	ssyncset.done $0x0  }
0xc2: {  	[sflag:s20] =	ssyncadd.s32 $0xFFFFEC00  }
0xc3: {  	_ =	swait.ge [sflag:s20], $0x1400  }
0xc4: {  	[sflag:s20] =	ssyncset.done $0x0  }
0xc5: {  	[sflag:s20] =	ssyncadd.s32 $0xFFFFEC00  }
.Ltmp0:
0xc6: {  	_ =	swait.ge [sflag:s20], $0x1400;
	(pc) =	sbr.rel @p0 .LBB2_2-.Ltmp0, $4  }
0xc7: {  	[sflag:s20] =	ssyncset.done $0x0  }
0xc8: {  	[sflag:s20] =	ssyncadd.s32 $0xFFFFEC00  }
0xc9: {  	_ =	swait.ge [sflag:s20], $0x1400  }
0xca: {  	s22 =	sadd.s32 $0x1900, s22;
	s25 =	smov.u32 s24;
	[sflag:s20] =	ssyncset.done $0x0  }
0xcb: {  	s23 =	sshra.s32 s23, $0x2;
	[sflag:s20] =	ssyncadd.s32 $0xFFFFEC00  }
0xcc: {  	[tilespmem:s9], [sflag:$0x1] =	stream.indirect.gather [hbm4b:s2+s8], $0x40, s23, s8, $0xb8;
	[tilespmem:$0x16440] =	vst v63  }
0xcd: {  	s24 =	sadd.s32 $0x50, s23  }
0xce: {  	[tilespmem:s10], [sflag:$0x1] =	stream.indirect.gather [hbm4b:s2+s8], $0x40, s24, s8, $0xb8;
	[tilespmem:$0x16440] =	vst v63  }
0xcf: {  	s26 =	sadd.s32 $0xA0, s23  }
0xd0: {  	[tilespmem:s11], [sflag:$0x1] =	stream.indirect.gather [hbm4b:s2+s8], $0x40, s26, s8, $0xb8;
	[tilespmem:$0x16440] =	vst v63  }
0xd1: {  	s28 =	sadd.s32 $0xF0, s23  }
0xd2: {  	[tilespmem:s12], [sflag:$0x1] =	stream.indirect.gather [hbm4b:s2+s8], $0x40, s28, s8, $0xb8;
	[tilespmem:$0x16440] =	vst v63  }
0xd3: {  	s29 =	sadd.s32 $0x140, s23  }
0xd4: {  	[tilespmem:s13], [sflag:$0x1] =	stream.indirect.gather [hbm4b:s2+s8], $0x40, s29, s8, $0xb8;
	[tilespmem:$0x16440] =	vst v63  }
0xd5: {  	s30 =	sadd.s32 $0x190, s23  }
0xd6: {  	[tilespmem:s14], [sflag:$0x1] =	stream.indirect.gather [hbm4b:s2+s8], $0x40, s30, s8, $0xb8;
	[tilespmem:$0x16440] =	vst v63  }
0xd7: {  	s31 =	sadd.s32 $0x1E0, s23  }
0xd8: {  	[tilespmem:s15], [sflag:$0x1] =	stream.indirect.gather [hbm4b:s2+s8], $0x40, s31, s8, $0xb8;
	[tilespmem:$0x16440] =	vst v63  }
0xd9: {  	s25 =	sadd.s32 $0x230, s23  }
0xda: {  	[tilespmem:s16], [sflag:$0x1] =	stream.indirect.gather [hbm4b:s2+s8], $0x40, s25, s8, $0xb8;
	[tilespmem:$0x16440] =	vst v63  }
0xdb: {  	s26 =	sadd.s32 $0x280, s23  }
0xdc: {  	[tilespmem:s17], [sflag:$0x1] =	stream.indirect.gather [hbm4b:s2+s8], $0x40, s26, s8, $0xb8;
	[tilespmem:$0x16440] =	vst v63  }
0xdd: {  	s23 =	sadd.s32 $0x2D0, s23  }
0xde: {  	[tilespmem:s18], [sflag:$0x1] =	stream.indirect.gather [hbm4b:s2+s8], $0x40, s23, s8, $0xb8;
	[tilespmem:$0x16440] =	vst v63  }
0xdf: {  	_ =	swait.ge [sflag:s19], $0x1400  }
0xe0: {  	s28 =	rddreg [dreg:$0xc];
	[sflag:s19] =	ssyncset.done $0x0  }
0xe1: {  	[sflag:s19] =	ssyncadd.s32 $0xFFFFEC00;
	s23 =	sadd.s32 s22, s28  }
0xe2: {  	[hbm4b:s23+s3] =	stream.linear.scatter [tilespmem:s9], [sflag:$0x2], $0x1400, $0x38;
	[tilespmem:$0x16440] =	vst v63  }
0xe3: {  	_ =	swait.ge [sflag:s19], $0x1400  }
0xe4: {  	s29 =	rddreg [dreg:$0xb];
	[sflag:s19] =	ssyncset.done $0x0  }
0xe5: {  	[sflag:s19] =	ssyncadd.s32 $0xFFFFEC00;
	s23 =	sadd.s32 s22, s29  }
0xe6: {  	[hbm4b:s23+s3] =	stream.linear.scatter [tilespmem:s10], [sflag:$0x2], $0x1400, $0x38;
	[tilespmem:$0x16440] =	vst v63  }
0xe7: {  	_ =	swait.ge [sflag:s19], $0x1400  }
0xe8: {  	s30 =	rddreg [dreg:$0xa];
	[sflag:s19] =	ssyncset.done $0x0  }
0xe9: {  	[sflag:s19] =	ssyncadd.s32 $0xFFFFEC00;
	s23 =	sadd.s32 s22, s30  }
0xea: {  	[hbm4b:s23+s3] =	stream.linear.scatter [tilespmem:s11], [sflag:$0x2], $0x1400, $0x38;
	[tilespmem:$0x16440] =	vst v63  }
0xeb: {  	_ =	swait.ge [sflag:s19], $0x1400  }
0xec: {  	s31 =	rddreg [dreg:$0x9];
	[sflag:s19] =	ssyncset.done $0x0  }
0xed: {  	[sflag:s19] =	ssyncadd.s32 $0xFFFFEC00;
	s23 =	sadd.s32 s22, s31  }
0xee: {  	[hbm4b:s23+s3] =	stream.linear.scatter [tilespmem:s12], [sflag:$0x2], $0x1400, $0x38;
	[tilespmem:$0x16440] =	vst v63  }
0xef: {  	_ =	swait.ge [sflag:s19], $0x1400  }
0xf0: {  	s24 =	rddreg [dreg:$0x8];
	[sflag:s19] =	ssyncset.done $0x0  }
0xf1: {  	[sflag:s19] =	ssyncadd.s32 $0xFFFFEC00;
	s23 =	sadd.s32 s22, s24  }
0xf2: {  	[hbm4b:s23+s3] =	stream.linear.scatter [tilespmem:s13], [sflag:$0x2], $0x1400, $0x38;
	[tilespmem:$0x16440] =	vst v63  }
0xf3: {  	_ =	swait.ge [sflag:s19], $0x1400  }
0xf4: {  	s25 =	rddreg [dreg:$0x7];
	[sflag:s19] =	ssyncset.done $0x0  }
0xf5: {  	[sflag:s19] =	ssyncadd.s32 $0xFFFFEC00;
	s23 =	sadd.s32 s22, s25  }
0xf6: {  	[hbm4b:s23+s3] =	stream.linear.scatter [tilespmem:s14], [sflag:$0x2], $0x1400, $0x38;
	[tilespmem:$0x16440] =	vst v63  }
0xf7: {  	_ =	swait.ge [sflag:s19], $0x1400  }
0xf8: {  	s26 =	rddreg [dreg:$0x6];
	[sflag:s19] =	ssyncset.done $0x0  }
0xf9: {  	[sflag:s19] =	ssyncadd.s32 $0xFFFFEC00;
	s23 =	sadd.s32 s22, s26  }
0xfa: {  	[hbm4b:s23+s3] =	stream.linear.scatter [tilespmem:s15], [sflag:$0x2], $0x1400, $0x38;
	[tilespmem:$0x16440] =	vst v63  }
0xfb: {  	_ =	swait.ge [sflag:s19], $0x1400  }
0xfc: {  	s28 =	rddreg [dreg:$0x5];
	[sflag:s19] =	ssyncset.done $0x0  }
0xfd: {  	[sflag:s19] =	ssyncadd.s32 $0xFFFFEC00;
	s23 =	sadd.s32 s22, s28  }
0xfe: {  	[hbm4b:s23+s3] =	stream.linear.scatter [tilespmem:s16], [sflag:$0x2], $0x1400, $0x38;
	[tilespmem:$0x16440] =	vst v63  }
0xff: {  	_ =	swait.ge [sflag:s19], $0x1400  }
0x100: {  	s29 =	rddreg [dreg:$0x4];
	[sflag:s19] =	ssyncset.done $0x0  }
0x101: {  	[sflag:s19] =	ssyncadd.s32 $0xFFFFEC00;
	s23 =	sadd.s32 s22, s29  }
0x102: {  	[hbm4b:s23+s3] =	stream.linear.scatter [tilespmem:s17], [sflag:$0x2], $0x1400, $0x38;
	[tilespmem:$0x16440] =	vst v63  }
0x103: {  	_ =	swait.ge [sflag:s19], $0x1400  }
0x104: {  	s30 =	rddreg [dreg:$0x3];
	[sflag:s19] =	ssyncset.done $0x0  }
0x105: {  	[sflag:s19] =	ssyncadd.s32 $0xFFFFEC00;
	s31 =	sadd.s32 s22, s30  }
0x106: {  	[hbm4b:s31+s3] =	stream.linear.scatter [tilespmem:s18], [sflag:$0x2], $0x1400, $0x38;
	[tilespmem:$0x16440] =	vst v63  }
0x107: {  	_ =	swait.ge [sflag:s20], $0x1400  }
0x108: {  	[sflag:s20] =	ssyncset.done $0x0  }
0x109: {  	[sflag:s20] =	ssyncadd.s32 $0xFFFFEC00  }
0x10a: {  	_ =	swait.ge [sflag:s20], $0x1400  }
0x10b: {  	[sflag:s20] =	ssyncset.done $0x0  }
0x10c: {  	[sflag:s20] =	ssyncadd.s32 $0xFFFFEC00  }
0x10d: {  	_ =	swait.ge [sflag:s20], $0x1400  }
0x10e: {  	[sflag:s20] =	ssyncset.done $0x0  }
0x10f: {  	[sflag:s20] =	ssyncadd.s32 $0xFFFFEC00  }
0x110: {  	_ =	swait.ge [sflag:s20], $0x1400  }
0x111: {  	[sflag:s20] =	ssyncset.done $0x0  }
0x112: {  	[sflag:s20] =	ssyncadd.s32 $0xFFFFEC00  }
0x113: {  	_ =	swait.ge [sflag:s20], $0x1400  }
0x114: {  	[sflag:s20] =	ssyncset.done $0x0  }
0x115: {  	[sflag:s20] =	ssyncadd.s32 $0xFFFFEC00  }
0x116: {  	_ =	swait.ge [sflag:s20], $0x1400  }
0x117: {  	[sflag:s20] =	ssyncset.done $0x0  }
0x118: {  	[sflag:s20] =	ssyncadd.s32 $0xFFFFEC00  }
0x119: {  	_ =	swait.ge [sflag:s20], $0x1400  }
0x11a: {  	[sflag:s20] =	ssyncset.done $0x0  }
0x11b: {  	[sflag:s20] =	ssyncadd.s32 $0xFFFFEC00  }
0x11c: {  	_ =	swait.ge [sflag:s20], $0x1400  }
0x11d: {  	[sflag:s20] =	ssyncset.done $0x0  }
0x11e: {  	s21 =	sadd.s32 $0x1, s21;
	[sflag:s20] =	ssyncadd.s32 $0xFFFFEC00  }
0x11f: {  	p0 =	sne.s32 s21, s6;
	_ =	swait.ge [sflag:s20], $0x1400  }
.Ltmp1:
0x120: {  	[sflag:s20] =	ssyncset.done $0x0;
	(pc) =	sbr.rel @p0 .LBB2_1-.Ltmp1, $4  }
0x121: {  	[sflag:s20] =	ssyncadd.s32 $0xFFFFEC00  }
0x122: {  	_ =	swait.ge [sflag:s20], $0x1400  }
0x123: {  	[sflag:s20] =	ssyncset.done $0x0  }
0x124: {  	[sflag:s20] =	ssyncadd.s32 $0xFFFFEC00  }
0x125: {  	_ =	sfence.sel $0x180000  }
0x126: {  	[bflag:$0x0] =	sbarrier.arrive $0xFFFF  }
0x127: {  	p0 =	sne.s32 s0, $0x0;
	_ =	strace $0x9000004A  }
0x128: {  	s0 =	sadd.s32 @!p0 $0x100000, s1;
	[bflag:$0x2] =	sbarrier.arrive $0xFFFF  }
0x129: {  	[sflag:s0] =	ssyncadd.tile.s32 @!p0 $0x1;
	_ =	shalt  }
.Lfunc_end2:
_tile_overlayer_lowered:
.L_overlay_start_2:
0x12a: {  	(tag) =	ssettag $0x2  }
0x12b: {  	s0 =	rddreg [dreg:$0x0];
	s2 =	stileid.u32  }
0x12c: {  	s1 =	rddreg [dreg:$0x1];
	p0 =	sne.s32 s2, $0x0  }
0x12d: {  	s3 =	rddreg [dreg:$0x2];
	[bflag:$0x3] =	sbarrier.arrive $0xFFFF;
	s2 =	simm.s32 @!p0 $0x1C03  }
0x12e: {  	[timem:s3], [sflag:s2] =	dma.local @!p0 [hbm:s0], s1  }
0x12f: {  	s0 =	simm.s32 @!p0 $0x3  }
0x130: {  	_ =	swait.ge @!p0 [sflag:s0], s1  }
0x131: {  	s1 =	ssub.s32 @!p0 $0x0, s1;
	[sflag:s0] =	ssyncset.done @!p0 $0x0  }
0x132: {  	[sflag:s0] =	ssyncadd.s32 @!p0 s1  }
0x133: {  	[bflag:$0x3] =	sbarrier.arrive $0xFFFF  }
0x134: {  	_ =	shalt  }

</sc_bundles>
